<compile_context>
chip_gen: v7x
topology: tpu7x:2x2x1
jax: 0.10.2.dev20260603
libtpu: 0.0.44.dev20260713+nightly
codegen_flags: <defaults>
</compile_context>

<pallas_src>
import functools

import jax
import jax.numpy as jnp
from jax import lax
from jax.experimental import pallas as pl
from jax.experimental.pallas import tpu as pltpu
from jax.experimental.pallas import tpu_sc as plsc

N_NODES = 20000
NPAD = 20480
T = 8
E = 320000
ROWS = 2560
EPAD = ROWS * 128
DUMMY = N_NODES
R_PT = ROWS // 32
NODES_PT = NPAD // 16
BN = 2048


def _make_edge_pass(D):
    mesh = plsc.VectorSubcoreMesh(core_axis_name="c", subcore_axis_name="s")

    @functools.partial(
        pl.kernel,
        mesh=mesh,
        out_type=jax.ShapeDtypeStruct((2, NPAD, D), jnp.float32),
        scratch_types=[
            pltpu.VMEM((R_PT, 128), jnp.int32),
            pltpu.VMEM((R_PT, 128), jnp.int32),
            pltpu.VMEM((128, D), jnp.float32),
            pltpu.VMEM((128, D), jnp.float32),
            pltpu.VMEM_SHARED((NPAD, D), jnp.float32),
            pltpu.SemaphoreType.DMA,
            pltpu.SemaphoreType.DMA,
        ],
        compiler_params=pltpu.CompilerParams(use_tc_tiling_on_sc=False),
    )
    def edge_pass(src_hbm, dst_hbm, tab_hbm, zero_hbm, out_hbm,
                  srcv, dstv, rows_a, rows_b, acc, sem_a, sem_b):
        c = lax.axis_index("c")
        s = lax.axis_index("s")
        nbase = s * NODES_PT
        pltpu.sync_copy(zero_hbm.at[pl.ds(nbase, NODES_PT)],
                        acc.at[pl.ds(nbase, NODES_PT)])
        rbase = (c * 16 + s) * R_PT
        pltpu.sync_copy(src_hbm.at[pl.ds(rbase, R_PT)], srcv)
        pltpu.sync_copy(dst_hbm.at[pl.ds(rbase, R_PT)], dstv)
        plsc.subcore_barrier()

        def body(j, carry):
            ca = pltpu.async_copy(tab_hbm.at[srcv.at[2 * j]], rows_a, sem_a)
            cb = pltpu.async_copy(tab_hbm.at[srcv.at[2 * j + 1]], rows_b, sem_b)
            ca.wait()
            pltpu.sync_copy(rows_a, acc.at[dstv.at[2 * j]], add=True)
            cb.wait()
            pltpu.sync_copy(rows_b, acc.at[dstv.at[2 * j + 1]], add=True)
            return carry

        lax.fori_loop(0, R_PT // 2, body, 0)
        plsc.subcore_barrier()
        pltpu.sync_copy(acc.at[pl.ds(nbase, NODES_PT)],
                        out_hbm.at[c, pl.ds(nbase, NODES_PT)])

    return edge_pass


def _make_deg_pass():
    mesh = plsc.VectorSubcoreMesh(core_axis_name="c", subcore_axis_name="s")

    @functools.partial(
        pl.kernel,
        mesh=mesh,
        out_type=jax.ShapeDtypeStruct((2, NPAD, 8), jnp.float32),
        scratch_types=[
            pltpu.VMEM((R_PT, 128), jnp.int32),
            pltpu.VMEM((128, 8), jnp.float32),
            pltpu.VMEM_SHARED((NPAD, 8), jnp.float32),
            pltpu.SemaphoreType.DMA,
        ],
        compiler_params=pltpu.CompilerParams(use_tc_tiling_on_sc=False),
    )
    def deg_pass(dst_hbm, ones_hbm, zero_hbm, out_hbm, dstv, onesv, acc, sem):
        c = lax.axis_index("c")
        s = lax.axis_index("s")
        nbase = s * NODES_PT
        pltpu.sync_copy(zero_hbm.at[pl.ds(nbase, NODES_PT)],
                        acc.at[pl.ds(nbase, NODES_PT)])
        rbase = (c * 16 + s) * R_PT
        pltpu.sync_copy(dst_hbm.at[pl.ds(rbase, R_PT)], dstv)
        pltpu.sync_copy(ones_hbm, onesv)
        plsc.subcore_barrier()

        def body(j, carry):
            pltpu.sync_copy(onesv, acc.at[dstv.at[j]], add=True)
            return carry

        lax.fori_loop(0, R_PT, body, 0)
        plsc.subcore_barrier()
        pltpu.sync_copy(acc.at[pl.ds(nbase, NODES_PT)],
                        out_hbm.at[c, pl.ds(nbase, NODES_PT)])

    return deg_pass


def _prep1(d0, d1, xp):
    def body(d0_ref, d1_ref, x_ref, dinv_ref, s1_ref):
        deg = 1.0 + d0_ref[:, 0:1] + d1_ref[:, 0:1]
        dinv = lax.rsqrt(deg)
        dinv_ref[...] = dinv
        s1_ref[...] = dinv * x_ref[...]

    return pl.pallas_call(
        body,
        grid=(NPAD // BN,),
        in_specs=[pl.BlockSpec((BN, 8), lambda i: (i, 0))] * 3,
        out_specs=[pl.BlockSpec((BN, 1), lambda i: (i, 0)),
                   pl.BlockSpec((BN, 8), lambda i: (i, 0))],
        out_shape=[jax.ShapeDtypeStruct((NPAD, 1), jnp.float32),
                   jax.ShapeDtypeStruct((NPAD, 8), jnp.float32)],
    )(d0, d1, xp)


def _prep2(q0, q1, s1, dinv):
    def body(q0_ref, q1_ref, s1_ref, dinv_ref, s2_ref):
        dinv = dinv_ref[...]
        u = dinv * (q0_ref[...] + q1_ref[...] + s1_ref[...])
        ap = jnp.maximum(u, 0.0)
        am = u - ap
        s2_ref[:, :8] = dinv * ap
        s2_ref[:, 8:] = dinv * am

    return pl.pallas_call(
        body,
        grid=(NPAD // BN,),
        in_specs=[pl.BlockSpec((BN, 8), lambda i: (i, 0))] * 3
                 + [pl.BlockSpec((BN, 1), lambda i: (i, 0))],
        out_specs=pl.BlockSpec((BN, 16), lambda i: (i, 0)),
        out_shape=jax.ShapeDtypeStruct((NPAD, 16), jnp.float32),
    )(q0, q1, s1, dinv)


def _lstm(p0, p1, s2, dinv, W1, W2, W_ihT, W_hhT, bsum, b2r, fc_W, fc_b):
    def body(p0_ref, p1_ref, s2_ref, dinv_ref, w1_ref, w2_ref, wih_ref,
             whh_ref, bsum_ref, b2_ref, fcw_ref, fcb_ref, out_ref):
        f32 = jnp.float32
        w1 = w1_ref[...]
        cp = jnp.dot(jnp.maximum(w1, 0.0), w2_ref[...],
                     preferred_element_type=f32,
                     precision=lax.Precision.HIGHEST)
        cm = jnp.dot(jnp.minimum(w1, 0.0), w2_ref[...],
                     preferred_element_type=f32,
                     precision=lax.Precision.HIGHEST)
        wih = wih_ref[...]
        gp = jnp.dot(cp, wih, preferred_element_type=f32,
                     precision=lax.Precision.HIGHEST)
        gm = jnp.dot(cm, wih, preferred_element_type=f32,
                     precision=lax.Precision.HIGHEST)
        g0 = jnp.dot(b2_ref[...], wih, preferred_element_type=f32,
                     precision=lax.Precision.HIGHEST) + bsum_ref[...]
        whh = whh_ref[...]

        V = dinv_ref[...] * (p0_ref[...] + p1_ref[...] + s2_ref[...])
        h = jnp.zeros((BN, 64), f32)
        c = jnp.zeros((BN, 64), f32)
        for t in range(T):
            gates = (V[:, t:t + 1] * gp + V[:, 8 + t:9 + t] * gm + g0
                     + jnp.dot(h, whh, preferred_element_type=f32,
                     precision=lax.Precision.HIGHEST))
            i = jax.nn.sigmoid(gates[:, :64])
            f = jax.nn.sigmoid(gates[:, 64:128])
            g = jnp.tanh(gates[:, 128:192])
            o = jax.nn.sigmoid(gates[:, 192:256])
            c = f * c + i * g
            h = o * jnp.tanh(c)
        out_ref[...] = jnp.dot(h, fcw_ref[...],
                               preferred_element_type=f32,
                     precision=lax.Precision.HIGHEST) + fcb_ref[...]

    node = lambda w: pl.BlockSpec((BN, w), lambda i: (i, 0))
    full = lambda a: pl.BlockSpec(a.shape, lambda i: (0, 0))
    return pl.pallas_call(
        body,
        grid=(NPAD // BN,),
        in_specs=[node(16), node(16), node(16), node(1),
                  full(W1), full(W2), full(W_ihT), full(W_hhT),
                  full(bsum), full(b2r), full(fc_W), full(fc_b)],
        out_specs=node(1),
        out_shape=jax.ShapeDtypeStruct((NPAD, 1), jnp.float32),
    )(p0, p1, s2, dinv, W1, W2, W_ihT, W_hhT, bsum, b2r, fc_W, fc_b)


def kernel(x, edge_index, W1, b1, W2, b2, W_ih, W_hh, b_ih, b_hh, fc_W, fc_b):
    B, T_, NN = x.shape
    X = jnp.transpose(x, (0, 2, 1)).reshape(B * NN, T_)
    Xp = jnp.pad(X, ((0, NPAD - N_NODES), (0, 0)))

    src = jnp.pad(edge_index[0], (0, EPAD - E), constant_values=DUMMY)
    dst = jnp.pad(edge_index[1], (0, EPAD - E), constant_values=DUMMY)
    src2d = src.reshape(ROWS, 128)
    dst2d = dst.reshape(ROWS, 128)

    ones1 = jnp.ones((128, 8), jnp.float32)
    zeros1 = jnp.zeros((NPAD, 8), jnp.float32)
    zeros8 = jnp.zeros((NPAD, 8), jnp.float32)
    zeros16 = jnp.zeros((NPAD, 16), jnp.float32)

    dpart = _make_deg_pass()(dst2d, ones1, zeros1)
    dinv, S1 = _prep1(dpart[0], dpart[1], Xp)
    qpart = _make_edge_pass(8)(src2d, dst2d, S1, zeros8)
    S2 = _prep2(qpart[0], qpart[1], S1, dinv)
    ppart = _make_edge_pass(16)(src2d, dst2d, S2, zeros16)

    bsum = (b_ih + b_hh).reshape(1, 256)
    out = _lstm(ppart[0], ppart[1], S2, dinv, W1, W2,
                W_ih.T, W_hh.T, bsum, b2.reshape(1, 64),
                fc_W, fc_b.reshape(1, 1))
    return out[:N_NODES, 0]

# --- scband reference (transcript-rebuilt; emitter-appended) ---
"""Pipeline reference for scband-gnnlstm-14851996909757 (READ-ONLY COPY).

The authoritative reference and input builder live on the scoring server;
editing this copy changes nothing except your own understanding.
"""

import jax, jax.numpy as jnp
import numpy as np

NUM_NODES = 10000
BATCH = 2
SEQ_LEN = 8
N_EDGES = 320000
IN_FEATURES = 1
HIDDEN = 64


def gcn_conv(x, edge_index, W, b):
    N = x.shape[0]
    x = x @ W
    src = edge_index[0]
    dst = edge_index[1]
    loop = jnp.arange(N, dtype=edge_index.dtype)
    src = jnp.concatenate([src, loop])
    dst = jnp.concatenate([dst, loop])
    deg = jnp.zeros((N,), dtype=x.dtype).at[dst].add(1.0)
    dinv = jnp.where(deg > 0, jax.lax.rsqrt(deg), 0.0)
    norm = dinv[src] * dinv[dst]
    msg = x[src] * norm[:, None]
    out = jnp.zeros((N, x.shape[1]), dtype=x.dtype).at[dst].add(msg)
    return out + b


def lstm_last(seq, W_ih, W_hh, b_ih, b_hh):
    B = seq.shape[0]
    H = W_hh.shape[1]

    def step(carry, x_t):
        h, c = carry
        gates = x_t @ W_ih.T + h @ W_hh.T + b_ih + b_hh
        i, f, g, o = jnp.split(gates, 4, axis=-1)
        i = jax.nn.sigmoid(i)
        f = jax.nn.sigmoid(f)
        g = jnp.tanh(g)
        o = jax.nn.sigmoid(o)
        c = f * c + i * g
        h = o * jnp.tanh(c)
        return (h, c), None

    xs = jnp.swapaxes(seq, 0, 1)
    h0 = jnp.zeros((B, H), seq.dtype)
    c0 = jnp.zeros((B, H), seq.dtype)
    (h, c), _ = jax.lax.scan(step, (h0, c0), xs)
    return h


def setup_inputs(seed: int = 0):
    key = jax.random.key(seed)
    ks = jax.random.split(key, 12)
    x = jax.random.normal(ks[0], (BATCH, SEQ_LEN, NUM_NODES), dtype=jnp.float32)
    edge_index = jax.random.randint(ks[1], (2, N_EDGES), 0, NUM_NODES, dtype=jnp.int32)
    W1 = jax.random.normal(ks[2], (IN_FEATURES, HIDDEN), dtype=jnp.float32) * 0.1
    b1 = jnp.zeros((HIDDEN,), dtype=jnp.float32)
    W2 = jax.random.normal(ks[3], (HIDDEN, HIDDEN), dtype=jnp.float32) * 0.1
    b2 = jnp.zeros((HIDDEN,), dtype=jnp.float32)
    W_ih = jax.random.normal(ks[4], (4 * HIDDEN, HIDDEN), dtype=jnp.float32) * 0.1
    W_hh = jax.random.normal(ks[5], (4 * HIDDEN, HIDDEN), dtype=jnp.float32) * 0.1
    b_ih = jnp.zeros((4 * HIDDEN,), dtype=jnp.float32)
    b_hh = jnp.zeros((4 * HIDDEN,), dtype=jnp.float32)
    fc_W = jax.random.normal(ks[6], (HIDDEN, 1), dtype=jnp.float32) * 0.1
    fc_b = jnp.zeros((1,), dtype=jnp.float32)
    return {"x": x, "edge_index": edge_index, "W1": W1, "b1": b1, "W2": W2, "b2": b2, "W_ih": W_ih, "W_hh": W_hh, "b_ih": b_ih, "b_hh": b_hh, "fc_W": fc_W, "fc_b": fc_b}


def reference(x, edge_index, W1, b1, W2, b2, W_ih, W_hh, b_ih, b_hh, fc_W, fc_b):
    batch, seq_len, nodes = x.shape
    outs = []
    for t in range(seq_len):
        xt = x[:, t, :].reshape(-1, 1)
        h = gcn_conv(xt, edge_index, W1, b1)
        h = jax.nn.relu(h)
        h = gcn_conv(h, edge_index, W2, b2)
        outs.append(h.reshape(batch, nodes, -1))
    gnn_out = jnp.stack(outs, axis=1)
    seq = jnp.transpose(gnn_out, (0, 2, 1, 3)).reshape(batch * nodes, seq_len, -1)
    h_last = lstm_last(seq, W_ih, W_hh, b_ih, b_hh)
    out = h_last @ fc_W + fc_b
    return jnp.squeeze(out)

if __name__ == "__main__":
    import jax
    _d = setup_inputs()
    print(jax.jit(kernel)(*tuple(_d.values())))

</pallas_src>

<mosaic_0001>
#map = affine_map<(d0, d1) -> (0, 0)>
#map1 = affine_map<(d0, d1) -> (0, 0, 0)>
module attributes {stable_mosaic.version = 14 : i64} {
  func.func @edge_pass(%arg0: i32, %arg1: i32, %arg2: memref<2560x128xi32, #tpu.memory_space<hbm>>, %arg3: memref<2560x128xi32, #tpu.memory_space<hbm>>, %arg4: memref<20480x8xf32, #tpu.memory_space<hbm>>, %arg5: memref<20480x8xf32, #tpu.memory_space<hbm>>, %arg6: memref<2x20480x8xf32, #tpu.memory_space<hbm>>, %arg7: memref<80x128xi32, #tpu.memory_space<vmem>>, %arg8: memref<80x128xi32, #tpu.memory_space<vmem>>, %arg9: memref<128x8xf32, #tpu.memory_space<vmem>>, %arg10: memref<128x8xf32, #tpu.memory_space<vmem>>, %arg11: memref<20480x8xf32, #tpu.memory_space<vmem_shared>>, %arg12: memref<!tpu.dma_semaphore, #tpu.memory_space<semaphore_mem>>, %arg13: memref<!tpu.dma_semaphore, #tpu.memory_space<semaphore_mem>>) attributes {dimension_semantics = [#tpu.dimension_semantics<core_parallel>, #tpu.dimension_semantics<subcore_parallel>], iteration_bounds = array<i64: 2, 16>, scalar_prefetch = 0 : i64, scratch_operands = 7 : i64, tpu.core_type = #tpu.core_type<sc_vector_subcore>, window_params = [{transform_indices = #map}, {transform_indices = #map}, {transform_indices = #map}, {transform_indices = #map}, {transform_indices = #map1}]} {
    %mul3A = arith.constant 1280 : i32
    %mul3A_0 = arith.muli %arg1, %mul3A : i32
    "tpu.region"() ({
      %run_scoped3A = tpu.sem_alloc : memref<!tpu.dma_semaphore, #tpu.memory_space<semaphore_mem>>
      %dma_start3A = arith.constant 0 : i32
      %dma_start3A_11 = tpu.memref_slice %arg11[%mul3A_0, %dma_start3A] : memref<20480x8xf32, #tpu.memory_space<vmem_shared>> -> memref<1280x8xf32, #tpu.memory_space<vmem_shared>>
      %dma_start3A_12 = arith.constant 0 : i32
      %dma_start3A_13 = tpu.memref_slice %arg5[%mul3A_0, %dma_start3A_12] : memref<20480x8xf32, #tpu.memory_space<hbm>> -> memref<1280x8xf32, #tpu.memory_space<hbm>>
      tpu.enqueue_dma source(%dma_start3A_13 : memref<1280x8xf32, #tpu.memory_space<hbm>>) target(%dma_start3A_11 : memref<1280x8xf32, #tpu.memory_space<vmem_shared>>) target_semaphore(%run_scoped3A : memref<!tpu.dma_semaphore, #tpu.memory_space<semaphore_mem>>)
      %dma_wait3A = arith.constant 0 : i32
      %dma_wait3A_14 = tpu.memref_slice %arg11[%mul3A_0, %dma_wait3A] : memref<20480x8xf32, #tpu.memory_space<vmem_shared>> -> memref<1280x8xf32, #tpu.memory_space<vmem_shared>>
      %dma_wait3A_15 = arith.constant 0 : i32
      %dma_wait3A_16 = tpu.memref_slice %arg5[%mul3A_0, %dma_wait3A_15] : memref<20480x8xf32, #tpu.memory_space<hbm>> -> memref<1280x8xf32, #tpu.memory_space<hbm>>
      tpu.wait_dma2 semaphore(%run_scoped3A : memref<!tpu.dma_semaphore, #tpu.memory_space<semaphore_mem>>) src(%dma_wait3A_16 : memref<1280x8xf32, #tpu.memory_space<hbm>>) dst(%dma_wait3A_14 : memref<1280x8xf32, #tpu.memory_space<vmem_shared>>)
      tpu.yield
    }) : () -> ()
    %mul3A_1 = arith.constant 16 : i32
    %mul3A_2 = arith.muli %arg0, %mul3A_1 : i32
    %add3A = arith.addi %mul3A_2, %arg1 : i32
    %mul3A_3 = arith.constant 80 : i32
    %mul3A_4 = arith.muli %add3A, %mul3A_3 : i32
    "tpu.region"() ({
      %run_scoped3A = tpu.sem_alloc : memref<!tpu.dma_semaphore, #tpu.memory_space<semaphore_mem>>
      %dma_start3A = arith.constant 0 : i32
      %dma_start3A_11 = tpu.memref_slice %arg2[%mul3A_4, %dma_start3A] : memref<2560x128xi32, #tpu.memory_space<hbm>> -> memref<80x128xi32, #tpu.memory_space<hbm>>
      %dma_start3A_12 = arith.constant 0 : i32
      %dma_start3A_13 = tpu.memref_slice %arg2[%mul3A_4, %dma_start3A_12] : memref<2560x128xi32, #tpu.memory_space<hbm>> -> memref<80x128xi32, #tpu.memory_space<hbm>>
      tpu.enqueue_dma source(%dma_start3A_13 : memref<80x128xi32, #tpu.memory_space<hbm>>) target(%arg7 : memref<80x128xi32, #tpu.memory_space<vmem>>) target_semaphore(%run_scoped3A : memref<!tpu.dma_semaphore, #tpu.memory_space<semaphore_mem>>)
      %dma_wait3A = arith.constant 0 : i32
      %dma_wait3A_14 = tpu.memref_slice %arg2[%mul3A_4, %dma_wait3A] : memref<2560x128xi32, #tpu.memory_space<hbm>> -> memref<80x128xi32, #tpu.memory_space<hbm>>
      %dma_wait3A_15 = arith.constant 0 : i32
      %dma_wait3A_16 = tpu.memref_slice %arg2[%mul3A_4, %dma_wait3A_15] : memref<2560x128xi32, #tpu.memory_space<hbm>> -> memref<80x128xi32, #tpu.memory_space<hbm>>
      tpu.wait_dma2 semaphore(%run_scoped3A : memref<!tpu.dma_semaphore, #tpu.memory_space<semaphore_mem>>) src(%dma_wait3A_16 : memref<80x128xi32, #tpu.memory_space<hbm>>) dst(%arg7 : memref<80x128xi32, #tpu.memory_space<vmem>>)
      tpu.yield
    }) : () -> ()
    "tpu.region"() ({
      %run_scoped3A = tpu.sem_alloc : memref<!tpu.dma_semaphore, #tpu.memory_space<semaphore_mem>>
      %dma_start3A = arith.constant 0 : i32
      %dma_start3A_11 = tpu.memref_slice %arg3[%mul3A_4, %dma_start3A] : memref<2560x128xi32, #tpu.memory_space<hbm>> -> memref<80x128xi32, #tpu.memory_space<hbm>>
      %dma_start3A_12 = arith.constant 0 : i32
      %dma_start3A_13 = tpu.memref_slice %arg3[%mul3A_4, %dma_start3A_12] : memref<2560x128xi32, #tpu.memory_space<hbm>> -> memref<80x128xi32, #tpu.memory_space<hbm>>
      tpu.enqueue_dma source(%dma_start3A_13 : memref<80x128xi32, #tpu.memory_space<hbm>>) target(%arg8 : memref<80x128xi32, #tpu.memory_space<vmem>>) target_semaphore(%run_scoped3A : memref<!tpu.dma_semaphore, #tpu.memory_space<semaphore_mem>>)
      %dma_wait3A = arith.constant 0 : i32
      %dma_wait3A_14 = tpu.memref_slice %arg3[%mul3A_4, %dma_wait3A] : memref<2560x128xi32, #tpu.memory_space<hbm>> -> memref<80x128xi32, #tpu.memory_space<hbm>>
      %dma_wait3A_15 = arith.constant 0 : i32
      %dma_wait3A_16 = tpu.memref_slice %arg3[%mul3A_4, %dma_wait3A_15] : memref<2560x128xi32, #tpu.memory_space<hbm>> -> memref<80x128xi32, #tpu.memory_space<hbm>>
      tpu.wait_dma2 semaphore(%run_scoped3A : memref<!tpu.dma_semaphore, #tpu.memory_space<semaphore_mem>>) src(%dma_wait3A_16 : memref<80x128xi32, #tpu.memory_space<hbm>>) dst(%arg8 : memref<80x128xi32, #tpu.memory_space<vmem>>)
      tpu.yield
    }) : () -> ()
    %barrier3A = arith.constant 0 : index
    tpu.barrier barrier_id(%barrier3A)
    %scan3A = arith.constant 0 : i32
    %scan3A_5 = arith.constant 0 : i32
    %scan3A_6 = arith.constant 40 : i32
    %scan3A_7 = arith.addi %scan3A_5, %scan3A_6 : i32
    %scan3A_8 = arith.constant 1 : i32
    scf.for %scan3A_11 = %scan3A_5 to %scan3A_7 step %scan3A_8  : i32 {
      %mul3A_12 = arith.constant 2 : i32
      %mul3A_13 = arith.muli %mul3A_12, %scan3A_11 : i32
      %dma_start3A = arith.constant 0 : i32
      %dma_start3A_14 = tpu.memref_slice %arg7[%mul3A_13, %dma_start3A] : memref<80x128xi32, #tpu.memory_space<vmem>> -> memref<1x128xi32, #tpu.memory_space<vmem>>
      %dma_start3A_15 = tpu.memref_squeeze %dma_start3A_14 : memref<1x128xi32, #tpu.memory_space<vmem>> -> memref<128xi32, #tpu.memory_space<vmem>>
      %dma_start3A_16 = arith.constant 0 : i32
      %dma_start3A_17 = arith.constant 0 : i32
      %dma_start3A_18 = tpu.memref_slice %arg4[%dma_start3A_16, %dma_start3A_17] : memref<20480x8xf32, #tpu.memory_space<hbm>> -> memref<20480x8xf32, #tpu.memory_space<hbm>>
      tpu.enqueue_indirect_dma source(%dma_start3A_18 : memref<20480x8xf32, #tpu.memory_space<hbm>>) target(%arg9 : memref<128x8xf32, #tpu.memory_space<vmem>>) offsets(%dma_start3A_15 : memref<128xi32, #tpu.memory_space<vmem>>) semaphore(%arg12 : memref<!tpu.dma_semaphore, #tpu.memory_space<semaphore_mem>>)
      %mul3A_19 = arith.constant 2 : i32
      %mul3A_20 = arith.muli %mul3A_19, %scan3A_11 : i32
      %add3A_21 = arith.constant 1 : i32
      %add3A_22 = arith.addi %mul3A_20, %add3A_21 : i32
      %dma_start3A_23 = arith.constant 0 : i32
      %dma_start3A_24 = tpu.memref_slice %arg7[%add3A_22, %dma_start3A_23] : memref<80x128xi32, #tpu.memory_space<vmem>> -> memref<1x128xi32, #tpu.memory_space<vmem>>
      %dma_start3A_25 = tpu.memref_squeeze %dma_start3A_24 : memref<1x128xi32, #tpu.memory_space<vmem>> -> memref<128xi32, #tpu.memory_space<vmem>>
      %dma_start3A_26 = arith.constant 0 : i32
      %dma_start3A_27 = arith.constant 0 : i32
      %dma_start3A_28 = tpu.memref_slice %arg4[%dma_start3A_26, %dma_start3A_27] : memref<20480x8xf32, #tpu.memory_space<hbm>> -> memref<20480x8xf32, #tpu.memory_space<hbm>>
      tpu.enqueue_indirect_dma source(%dma_start3A_28 : memref<20480x8xf32, #tpu.memory_space<hbm>>) target(%arg10 : memref<128x8xf32, #tpu.memory_space<vmem>>) offsets(%dma_start3A_25 : memref<128xi32, #tpu.memory_space<vmem>>) semaphore(%arg13 : memref<!tpu.dma_semaphore, #tpu.memory_space<semaphore_mem>>)
      %dma_wait3A = arith.constant 0 : i32
      %dma_wait3A_29 = tpu.memref_slice %arg7[%mul3A_13, %dma_wait3A] : memref<80x128xi32, #tpu.memory_space<vmem>> -> memref<1x128xi32, #tpu.memory_space<vmem>>
      %dma_wait3A_30 = tpu.memref_squeeze %dma_wait3A_29 : memref<1x128xi32, #tpu.memory_space<vmem>> -> memref<128xi32, #tpu.memory_space<vmem>>
      %dma_wait3A_31 = arith.constant 0 : i32
      %dma_wait3A_32 = arith.constant 0 : i32
      %dma_wait3A_33 = tpu.memref_slice %arg4[%dma_wait3A_31, %dma_wait3A_32] : memref<20480x8xf32, #tpu.memory_space<hbm>> -> memref<20480x8xf32, #tpu.memory_space<hbm>>
      tpu.wait_indirect_dma semaphore(%arg12 : memref<!tpu.dma_semaphore, #tpu.memory_space<semaphore_mem>>) src(%dma_wait3A_33 : memref<20480x8xf32, #tpu.memory_space<hbm>>) dst(%arg9 : memref<128x8xf32, #tpu.memory_space<vmem>>)
      %mul3A_34 = arith.constant 2 : i32
      %mul3A_35 = arith.muli %mul3A_34, %scan3A_11 : i32
      "tpu.region"() ({
        %run_scoped3A = tpu.sem_alloc : memref<!tpu.dma_semaphore, #tpu.memory_space<semaphore_mem>>
        %dma_start3A_46 = arith.constant 0 : i32
        %dma_start3A_47 = tpu.memref_slice %arg8[%mul3A_35, %dma_start3A_46] : memref<80x128xi32, #tpu.memory_space<vmem>> -> memref<1x128xi32, #tpu.memory_space<vmem>>
        %dma_start3A_48 = tpu.memref_squeeze %dma_start3A_47 : memref<1x128xi32, #tpu.memory_space<vmem>> -> memref<128xi32, #tpu.memory_space<vmem>>
        %dma_start3A_49 = arith.constant 0 : i32
        %dma_start3A_50 = arith.constant 0 : i32
        %dma_start3A_51 = tpu.memref_slice %arg11[%dma_start3A_49, %dma_start3A_50] : memref<20480x8xf32, #tpu.memory_space<vmem_shared>> -> memref<20480x8xf32, #tpu.memory_space<vmem_shared>>
        tpu.enqueue_indirect_dma source(%arg9 : memref<128x8xf32, #tpu.memory_space<vmem>>) target(%dma_start3A_51 : memref<20480x8xf32, #tpu.memory_space<vmem_shared>>) offsets(%dma_start3A_48 : memref<128xi32, #tpu.memory_space<vmem>>) semaphore(%run_scoped3A : memref<!tpu.dma_semaphore, #tpu.memory_space<semaphore_mem>>) {add = true}
        %dma_wait3A_52 = arith.constant 0 : i32
        %dma_wait3A_53 = tpu.memref_slice %arg8[%mul3A_35, %dma_wait3A_52] : memref<80x128xi32, #tpu.memory_space<vmem>> -> memref<1x128xi32, #tpu.memory_space<vmem>>
        %dma_wait3A_54 = tpu.memref_squeeze %dma_wait3A_53 : memref<1x128xi32, #tpu.memory_space<vmem>> -> memref<128xi32, #tpu.memory_space<vmem>>
        %dma_wait3A_55 = arith.constant 0 : i32
        %dma_wait3A_56 = arith.constant 0 : i32
        %dma_wait3A_57 = tpu.memref_slice %arg11[%dma_wait3A_55, %dma_wait3A_56] : memref<20480x8xf32, #tpu.memory_space<vmem_shared>> -> memref<20480x8xf32, #tpu.memory_space<vmem_shared>>
        tpu.wait_indirect_dma semaphore(%run_scoped3A : memref<!tpu.dma_semaphore, #tpu.memory_space<semaphore_mem>>) src(%arg9 : memref<128x8xf32, #tpu.memory_space<vmem>>) dst(%dma_wait3A_57 : memref<20480x8xf32, #tpu.memory_space<vmem_shared>>)
        tpu.yield
      }) : () -> ()
      %dma_wait3A_36 = arith.constant 0 : i32
      %dma_wait3A_37 = tpu.memref_slice %arg7[%add3A_22, %dma_wait3A_36] : memref<80x128xi32, #tpu.memory_space<vmem>> -> memref<1x128xi32, #tpu.memory_space<vmem>>
      %dma_wait3A_38 = tpu.memref_squeeze %dma_wait3A_37 : memref<1x128xi32, #tpu.memory_space<vmem>> -> memref<128xi32, #tpu.memory_space<vmem>>
      %dma_wait3A_39 = arith.constant 0 : i32
      %dma_wait3A_40 = arith.constant 0 : i32
      %dma_wait3A_41 = tpu.memref_slice %arg4[%dma_wait3A_39, %dma_wait3A_40] : memref<20480x8xf32, #tpu.memory_space<hbm>> -> memref<20480x8xf32, #tpu.memory_space<hbm>>
      tpu.wait_indirect_dma semaphore(%arg13 : memref<!tpu.dma_semaphore, #tpu.memory_space<semaphore_mem>>) src(%dma_wait3A_41 : memref<20480x8xf32, #tpu.memory_space<hbm>>) dst(%arg10 : memref<128x8xf32, #tpu.memory_space<vmem>>)
      %mul3A_42 = arith.constant 2 : i32
      %mul3A_43 = arith.muli %mul3A_42, %scan3A_11 : i32
      %add3A_44 = arith.constant 1 : i32
      %add3A_45 = arith.addi %mul3A_43, %add3A_44 : i32
      "tpu.region"() ({
        %run_scoped3A = tpu.sem_alloc : memref<!tpu.dma_semaphore, #tpu.memory_space<semaphore_mem>>
        %dma_start3A_46 = arith.constant 0 : i32
        %dma_start3A_47 = tpu.memref_slice %arg8[%add3A_45, %dma_start3A_46] : memref<80x128xi32, #tpu.memory_space<vmem>> -> memref<1x128xi32, #tpu.memory_space<vmem>>
        %dma_start3A_48 = tpu.memref_squeeze %dma_start3A_47 : memref<1x128xi32, #tpu.memory_space<vmem>> -> memref<128xi32, #tpu.memory_space<vmem>>
        %dma_start3A_49 = arith.constant 0 : i32
        %dma_start3A_50 = arith.constant 0 : i32
        %dma_start3A_51 = tpu.memref_slice %arg11[%dma_start3A_49, %dma_start3A_50] : memref<20480x8xf32, #tpu.memory_space<vmem_shared>> -> memref<20480x8xf32, #tpu.memory_space<vmem_shared>>
        tpu.enqueue_indirect_dma source(%arg10 : memref<128x8xf32, #tpu.memory_space<vmem>>) target(%dma_start3A_51 : memref<20480x8xf32, #tpu.memory_space<vmem_shared>>) offsets(%dma_start3A_48 : memref<128xi32, #tpu.memory_space<vmem>>) semaphore(%run_scoped3A : memref<!tpu.dma_semaphore, #tpu.memory_space<semaphore_mem>>) {add = true}
        %dma_wait3A_52 = arith.constant 0 : i32
        %dma_wait3A_53 = tpu.memref_slice %arg8[%add3A_45, %dma_wait3A_52] : memref<80x128xi32, #tpu.memory_space<vmem>> -> memref<1x128xi32, #tpu.memory_space<vmem>>
        %dma_wait3A_54 = tpu.memref_squeeze %dma_wait3A_53 : memref<1x128xi32, #tpu.memory_space<vmem>> -> memref<128xi32, #tpu.memory_space<vmem>>
        %dma_wait3A_55 = arith.constant 0 : i32
        %dma_wait3A_56 = arith.constant 0 : i32
        %dma_wait3A_57 = tpu.memref_slice %arg11[%dma_wait3A_55, %dma_wait3A_56] : memref<20480x8xf32, #tpu.memory_space<vmem_shared>> -> memref<20480x8xf32, #tpu.memory_space<vmem_shared>>
        tpu.wait_indirect_dma semaphore(%run_scoped3A : memref<!tpu.dma_semaphore, #tpu.memory_space<semaphore_mem>>) src(%arg10 : memref<128x8xf32, #tpu.memory_space<vmem>>) dst(%dma_wait3A_57 : memref<20480x8xf32, #tpu.memory_space<vmem_shared>>)
        tpu.yield
      }) : () -> ()
    }
    %scan3A_9 = arith.constant 40 : i32
    %barrier3A_10 = arith.constant 0 : index
    tpu.barrier barrier_id(%barrier3A_10)
    "tpu.region"() ({
      %run_scoped3A = tpu.sem_alloc : memref<!tpu.dma_semaphore, #tpu.memory_space<semaphore_mem>>
      %dma_start3A = arith.constant 0 : i32
      %dma_start3A_11 = tpu.memref_slice %arg6[%arg0, %mul3A_0, %dma_start3A] : memref<2x20480x8xf32, #tpu.memory_space<hbm>> -> memref<1x1280x8xf32, #tpu.memory_space<hbm>>
      %dma_start3A_12 = tpu.memref_squeeze %dma_start3A_11 : memref<1x1280x8xf32, #tpu.memory_space<hbm>> -> memref<1280x8xf32, #tpu.memory_space<hbm>>
      %dma_start3A_13 = arith.constant 0 : i32
      %dma_start3A_14 = tpu.memref_slice %arg11[%mul3A_0, %dma_start3A_13] : memref<20480x8xf32, #tpu.memory_space<vmem_shared>> -> memref<1280x8xf32, #tpu.memory_space<vmem_shared>>
      tpu.enqueue_dma source(%dma_start3A_14 : memref<1280x8xf32, #tpu.memory_space<vmem_shared>>) target(%dma_start3A_12 : memref<1280x8xf32, #tpu.memory_space<hbm>>) target_semaphore(%run_scoped3A : memref<!tpu.dma_semaphore, #tpu.memory_space<semaphore_mem>>)
      %dma_wait3A = arith.constant 0 : i32
      %dma_wait3A_15 = tpu.memref_slice %arg6[%arg0, %mul3A_0, %dma_wait3A] : memref<2x20480x8xf32, #tpu.memory_space<hbm>> -> memref<1x1280x8xf32, #tpu.memory_space<hbm>>
      %dma_wait3A_16 = tpu.memref_squeeze %dma_wait3A_15 : memref<1x1280x8xf32, #tpu.memory_space<hbm>> -> memref<1280x8xf32, #tpu.memory_space<hbm>>
      %dma_wait3A_17 = arith.constant 0 : i32
      %dma_wait3A_18 = tpu.memref_slice %arg11[%mul3A_0, %dma_wait3A_17] : memref<20480x8xf32, #tpu.memory_space<vmem_shared>> -> memref<1280x8xf32, #tpu.memory_space<vmem_shared>>
      tpu.wait_dma2 semaphore(%run_scoped3A : memref<!tpu.dma_semaphore, #tpu.memory_space<semaphore_mem>>) src(%dma_wait3A_18 : memref<1280x8xf32, #tpu.memory_space<vmem_shared>>) dst(%dma_wait3A_16 : memref<1280x8xf32, #tpu.memory_space<hbm>>)
      tpu.yield
    }) : () -> ()
    return
  }
}

#map = affine_map<(d0, d1) -> (0, 0)>
#map1 = affine_map<(d0, d1) -> (0, 0, 0)>
module attributes {stable_mosaic.version = 14 : i64} {
  func.func @edge_pass(%arg0: i32, %arg1: i32, %arg2: memref<2560x128xi32, #tpu.memory_space<hbm>>, %arg3: memref<2560x128xi32, #tpu.memory_space<hbm>>, %arg4: memref<20480x16xf32, #tpu.memory_space<hbm>>, %arg5: memref<20480x16xf32, #tpu.memory_space<hbm>>, %arg6: memref<2x20480x16xf32, #tpu.memory_space<hbm>>, %arg7: memref<80x128xi32, #tpu.memory_space<vmem>>, %arg8: memref<80x128xi32, #tpu.memory_space<vmem>>, %arg9: memref<128x16xf32, #tpu.memory_space<vmem>>, %arg10: memref<128x16xf32, #tpu.memory_space<vmem>>, %arg11: memref<20480x16xf32, #tpu.memory_space<vmem_shared>>, %arg12: memref<!tpu.dma_semaphore, #tpu.memory_space<semaphore_mem>>, %arg13: memref<!tpu.dma_semaphore, #tpu.memory_space<semaphore_mem>>) attributes {dimension_semantics = [#tpu.dimension_semantics<core_parallel>, #tpu.dimension_semantics<subcore_parallel>], iteration_bounds = array<i64: 2, 16>, scalar_prefetch = 0 : i64, scratch_operands = 7 : i64, tpu.core_type = #tpu.core_type<sc_vector_subcore>, window_params = [{transform_indices = #map}, {transform_indices = #map}, {transform_indices = #map}, {transform_indices = #map}, {transform_indices = #map1}]} {
    %mul3A = arith.constant 1280 : i32
    %mul3A_0 = arith.muli %arg1, %mul3A : i32
    "tpu.region"() ({
      %run_scoped3A = tpu.sem_alloc : memref<!tpu.dma_semaphore, #tpu.memory_space<semaphore_mem>>
      %dma_start3A = arith.constant 0 : i32
      %dma_start3A_11 = tpu.memref_slice %arg11[%mul3A_0, %dma_start3A] : memref<20480x16xf32, #tpu.memory_space<vmem_shared>> -> memref<1280x16xf32, #tpu.memory_space<vmem_shared>>
      %dma_start3A_12 = arith.constant 0 : i32
      %dma_start3A_13 = tpu.memref_slice %arg5[%mul3A_0, %dma_start3A_12] : memref<20480x16xf32, #tpu.memory_space<hbm>> -> memref<1280x16xf32, #tpu.memory_space<hbm>>
      tpu.enqueue_dma source(%dma_start3A_13 : memref<1280x16xf32, #tpu.memory_space<hbm>>) target(%dma_start3A_11 : memref<1280x16xf32, #tpu.memory_space<vmem_shared>>) target_semaphore(%run_scoped3A : memref<!tpu.dma_semaphore, #tpu.memory_space<semaphore_mem>>)
      %dma_wait3A = arith.constant 0 : i32
      %dma_wait3A_14 = tpu.memref_slice %arg11[%mul3A_0, %dma_wait3A] : memref<20480x16xf32, #tpu.memory_space<vmem_shared>> -> memref<1280x16xf32, #tpu.memory_space<vmem_shared>>
      %dma_wait3A_15 = arith.constant 0 : i32
      %dma_wait3A_16 = tpu.memref_slice %arg5[%mul3A_0, %dma_wait3A_15] : memref<20480x16xf32, #tpu.memory_space<hbm>> -> memref<1280x16xf32, #tpu.memory_space<hbm>>
      tpu.wait_dma2 semaphore(%run_scoped3A : memref<!tpu.dma_semaphore, #tpu.memory_space<semaphore_mem>>) src(%dma_wait3A_16 : memref<1280x16xf32, #tpu.memory_space<hbm>>) dst(%dma_wait3A_14 : memref<1280x16xf32, #tpu.memory_space<vmem_shared>>)
      tpu.yield
    }) : () -> ()
    %mul3A_1 = arith.constant 16 : i32
    %mul3A_2 = arith.muli %arg0, %mul3A_1 : i32
    %add3A = arith.addi %mul3A_2, %arg1 : i32
    %mul3A_3 = arith.constant 80 : i32
    %mul3A_4 = arith.muli %add3A, %mul3A_3 : i32
    "tpu.region"() ({
      %run_scoped3A = tpu.sem_alloc : memref<!tpu.dma_semaphore, #tpu.memory_space<semaphore_mem>>
      %dma_start3A = arith.constant 0 : i32
      %dma_start3A_11 = tpu.memref_slice %arg2[%mul3A_4, %dma_start3A] : memref<2560x128xi32, #tpu.memory_space<hbm>> -> memref<80x128xi32, #tpu.memory_space<hbm>>
      %dma_start3A_12 = arith.constant 0 : i32
      %dma_start3A_13 = tpu.memref_slice %arg2[%mul3A_4, %dma_start3A_12] : memref<2560x128xi32, #tpu.memory_space<hbm>> -> memref<80x128xi32, #tpu.memory_space<hbm>>
      tpu.enqueue_dma source(%dma_start3A_13 : memref<80x128xi32, #tpu.memory_space<hbm>>) target(%arg7 : memref<80x128xi32, #tpu.memory_space<vmem>>) target_semaphore(%run_scoped3A : memref<!tpu.dma_semaphore, #tpu.memory_space<semaphore_mem>>)
      %dma_wait3A = arith.constant 0 : i32
      %dma_wait3A_14 = tpu.memref_slice %arg2[%mul3A_4, %dma_wait3A] : memref<2560x128xi32, #tpu.memory_space<hbm>> -> memref<80x128xi32, #tpu.memory_space<hbm>>
      %dma_wait3A_15 = arith.constant 0 : i32
      %dma_wait3A_16 = tpu.memref_slice %arg2[%mul3A_4, %dma_wait3A_15] : memref<2560x128xi32, #tpu.memory_space<hbm>> -> memref<80x128xi32, #tpu.memory_space<hbm>>
      tpu.wait_dma2 semaphore(%run_scoped3A : memref<!tpu.dma_semaphore, #tpu.memory_space<semaphore_mem>>) src(%dma_wait3A_16 : memref<80x128xi32, #tpu.memory_space<hbm>>) dst(%arg7 : memref<80x128xi32, #tpu.memory_space<vmem>>)
      tpu.yield
    }) : () -> ()
    "tpu.region"() ({
      %run_scoped3A = tpu.sem_alloc : memref<!tpu.dma_semaphore, #tpu.memory_space<semaphore_mem>>
      %dma_start3A = arith.constant 0 : i32
      %dma_start3A_11 = tpu.memref_slice %arg3[%mul3A_4, %dma_start3A] : memref<2560x128xi32, #tpu.memory_space<hbm>> -> memref<80x128xi32, #tpu.memory_space<hbm>>
      %dma_start3A_12 = arith.constant 0 : i32
      %dma_start3A_13 = tpu.memref_slice %arg3[%mul3A_4, %dma_start3A_12] : memref<2560x128xi32, #tpu.memory_space<hbm>> -> memref<80x128xi32, #tpu.memory_space<hbm>>
      tpu.enqueue_dma source(%dma_start3A_13 : memref<80x128xi32, #tpu.memory_space<hbm>>) target(%arg8 : memref<80x128xi32, #tpu.memory_space<vmem>>) target_semaphore(%run_scoped3A : memref<!tpu.dma_semaphore, #tpu.memory_space<semaphore_mem>>)
      %dma_wait3A = arith.constant 0 : i32
      %dma_wait3A_14 = tpu.memref_slice %arg3[%mul3A_4, %dma_wait3A] : memref<2560x128xi32, #tpu.memory_space<hbm>> -> memref<80x128xi32, #tpu.memory_space<hbm>>
      %dma_wait3A_15 = arith.constant 0 : i32
      %dma_wait3A_16 = tpu.memref_slice %arg3[%mul3A_4, %dma_wait3A_15] : memref<2560x128xi32, #tpu.memory_space<hbm>> -> memref<80x128xi32, #tpu.memory_space<hbm>>
      tpu.wait_dma2 semaphore(%run_scoped3A : memref<!tpu.dma_semaphore, #tpu.memory_space<semaphore_mem>>) src(%dma_wait3A_16 : memref<80x128xi32, #tpu.memory_space<hbm>>) dst(%arg8 : memref<80x128xi32, #tpu.memory_space<vmem>>)
      tpu.yield
    }) : () -> ()
    %barrier3A = arith.constant 0 : index
    tpu.barrier barrier_id(%barrier3A)
    %scan3A = arith.constant 0 : i32
    %scan3A_5 = arith.constant 0 : i32
    %scan3A_6 = arith.constant 40 : i32
    %scan3A_7 = arith.addi %scan3A_5, %scan3A_6 : i32
    %scan3A_8 = arith.constant 1 : i32
    scf.for %scan3A_11 = %scan3A_5 to %scan3A_7 step %scan3A_8  : i32 {
      %mul3A_12 = arith.constant 2 : i32
      %mul3A_13 = arith.muli %mul3A_12, %scan3A_11 : i32
      %dma_start3A = arith.constant 0 : i32
      %dma_start3A_14 = tpu.memref_slice %arg7[%mul3A_13, %dma_start3A] : memref<80x128xi32, #tpu.memory_space<vmem>> -> memref<1x128xi32, #tpu.memory_space<vmem>>
      %dma_start3A_15 = tpu.memref_squeeze %dma_start3A_14 : memref<1x128xi32, #tpu.memory_space<vmem>> -> memref<128xi32, #tpu.memory_space<vmem>>
      %dma_start3A_16 = arith.constant 0 : i32
      %dma_start3A_17 = arith.constant 0 : i32
      %dma_start3A_18 = tpu.memref_slice %arg4[%dma_start3A_16, %dma_start3A_17] : memref<20480x16xf32, #tpu.memory_space<hbm>> -> memref<20480x16xf32, #tpu.memory_space<hbm>>
      tpu.enqueue_indirect_dma source(%dma_start3A_18 : memref<20480x16xf32, #tpu.memory_space<hbm>>) target(%arg9 : memref<128x16xf32, #tpu.memory_space<vmem>>) offsets(%dma_start3A_15 : memref<128xi32, #tpu.memory_space<vmem>>) semaphore(%arg12 : memref<!tpu.dma_semaphore, #tpu.memory_space<semaphore_mem>>)
      %mul3A_19 = arith.constant 2 : i32
      %mul3A_20 = arith.muli %mul3A_19, %scan3A_11 : i32
      %add3A_21 = arith.constant 1 : i32
      %add3A_22 = arith.addi %mul3A_20, %add3A_21 : i32
      %dma_start3A_23 = arith.constant 0 : i32
      %dma_start3A_24 = tpu.memref_slice %arg7[%add3A_22, %dma_start3A_23] : memref<80x128xi32, #tpu.memory_space<vmem>> -> memref<1x128xi32, #tpu.memory_space<vmem>>
      %dma_start3A_25 = tpu.memref_squeeze %dma_start3A_24 : memref<1x128xi32, #tpu.memory_space<vmem>> -> memref<128xi32, #tpu.memory_space<vmem>>
      %dma_start3A_26 = arith.constant 0 : i32
      %dma_start3A_27 = arith.constant 0 : i32
      %dma_start3A_28 = tpu.memref_slice %arg4[%dma_start3A_26, %dma_start3A_27] : memref<20480x16xf32, #tpu.memory_space<hbm>> -> memref<20480x16xf32, #tpu.memory_space<hbm>>
      tpu.enqueue_indirect_dma source(%dma_start3A_28 : memref<20480x16xf32, #tpu.memory_space<hbm>>) target(%arg10 : memref<128x16xf32, #tpu.memory_space<vmem>>) offsets(%dma_start3A_25 : memref<128xi32, #tpu.memory_space<vmem>>) semaphore(%arg13 : memref<!tpu.dma_semaphore, #tpu.memory_space<semaphore_mem>>)
      %dma_wait3A = arith.constant 0 : i32
      %dma_wait3A_29 = tpu.memref_slice %arg7[%mul3A_13, %dma_wait3A] : memref<80x128xi32, #tpu.memory_space<vmem>> -> memref<1x128xi32, #tpu.memory_space<vmem>>
      %dma_wait3A_30 = tpu.memref_squeeze %dma_wait3A_29 : memref<1x128xi32, #tpu.memory_space<vmem>> -> memref<128xi32, #tpu.memory_space<vmem>>
      %dma_wait3A_31 = arith.constant 0 : i32
      %dma_wait3A_32 = arith.constant 0 : i32
      %dma_wait3A_33 = tpu.memref_slice %arg4[%dma_wait3A_31, %dma_wait3A_32] : memref<20480x16xf32, #tpu.memory_space<hbm>> -> memref<20480x16xf32, #tpu.memory_space<hbm>>
      tpu.wait_indirect_dma semaphore(%arg12 : memref<!tpu.dma_semaphore, #tpu.memory_space<semaphore_mem>>) src(%dma_wait3A_33 : memref<20480x16xf32, #tpu.memory_space<hbm>>) dst(%arg9 : memref<128x16xf32, #tpu.memory_space<vmem>>)
      %mul3A_34 = arith.constant 2 : i32
      %mul3A_35 = arith.muli %mul3A_34, %scan3A_11 : i32
      "tpu.region"() ({
        %run_scoped3A = tpu.sem_alloc : memref<!tpu.dma_semaphore, #tpu.memory_space<semaphore_mem>>
        %dma_start3A_46 = arith.constant 0 : i32
        %dma_start3A_47 = tpu.memref_slice %arg8[%mul3A_35, %dma_start3A_46] : memref<80x128xi32, #tpu.memory_space<vmem>> -> memref<1x128xi32, #tpu.memory_space<vmem>>
        %dma_start3A_48 = tpu.memref_squeeze %dma_start3A_47 : memref<1x128xi32, #tpu.memory_space<vmem>> -> memref<128xi32, #tpu.memory_space<vmem>>
        %dma_start3A_49 = arith.constant 0 : i32
        %dma_start3A_50 = arith.constant 0 : i32
        %dma_start3A_51 = tpu.memref_slice %arg11[%dma_start3A_49, %dma_start3A_50] : memref<20480x16xf32, #tpu.memory_space<vmem_shared>> -> memref<20480x16xf32, #tpu.memory_space<vmem_shared>>
        tpu.enqueue_indirect_dma source(%arg9 : memref<128x16xf32, #tpu.memory_space<vmem>>) target(%dma_start3A_51 : memref<20480x16xf32, #tpu.memory_space<vmem_shared>>) offsets(%dma_start3A_48 : memref<128xi32, #tpu.memory_space<vmem>>) semaphore(%run_scoped3A : memref<!tpu.dma_semaphore, #tpu.memory_space<semaphore_mem>>) {add = true}
        %dma_wait3A_52 = arith.constant 0 : i32
        %dma_wait3A_53 = tpu.memref_slice %arg8[%mul3A_35, %dma_wait3A_52] : memref<80x128xi32, #tpu.memory_space<vmem>> -> memref<1x128xi32, #tpu.memory_space<vmem>>
        %dma_wait3A_54 = tpu.memref_squeeze %dma_wait3A_53 : memref<1x128xi32, #tpu.memory_space<vmem>> -> memref<128xi32, #tpu.memory_space<vmem>>
        %dma_wait3A_55 = arith.constant 0 : i32
        %dma_wait3A_56 = arith.constant 0 : i32
        %dma_wait3A_57 = tpu.memref_slice %arg11[%dma_wait3A_55, %dma_wait3A_56] : memref<20480x16xf32, #tpu.memory_space<vmem_shared>> -> memref<20480x16xf32, #tpu.memory_space<vmem_shared>>
        tpu.wait_indirect_dma semaphore(%run_scoped3A : memref<!tpu.dma_semaphore, #tpu.memory_space<semaphore_mem>>) src(%arg9 : memref<128x16xf32, #tpu.memory_space<vmem>>) dst(%dma_wait3A_57 : memref<20480x16xf32, #tpu.memory_space<vmem_shared>>)
        tpu.yield
      }) : () -> ()
      %dma_wait3A_36 = arith.constant 0 : i32
      %dma_wait3A_37 = tpu.memref_slice %arg7[%add3A_22, %dma_wait3A_36] : memref<80x128xi32, #tpu.memory_space<vmem>> -> memref<1x128xi32, #tpu.memory_space<vmem>>
      %dma_wait3A_38 = tpu.memref_squeeze %dma_wait3A_37 : memref<1x128xi32, #tpu.memory_space<vmem>> -> memref<128xi32, #tpu.memory_space<vmem>>
      %dma_wait3A_39 = arith.constant 0 : i32
      %dma_wait3A_40 = arith.constant 0 : i32
      %dma_wait3A_41 = tpu.memref_slice %arg4[%dma_wait3A_39, %dma_wait3A_40] : memref<20480x16xf32, #tpu.memory_space<hbm>> -> memref<20480x16xf32, #tpu.memory_space<hbm>>
      tpu.wait_indirect_dma semaphore(%arg13 : memref<!tpu.dma_semaphore, #tpu.memory_space<semaphore_mem>>) src(%dma_wait3A_41 : memref<20480x16xf32, #tpu.memory_space<hbm>>) dst(%arg10 : memref<128x16xf32, #tpu.memory_space<vmem>>)
      %mul3A_42 = arith.constant 2 : i32
      %mul3A_43 = arith.muli %mul3A_42, %scan3A_11 : i32
      %add3A_44 = arith.constant 1 : i32
      %add3A_45 = arith.addi %mul3A_43, %add3A_44 : i32
      "tpu.region"() ({
        %run_scoped3A = tpu.sem_alloc : memref<!tpu.dma_semaphore, #tpu.memory_space<semaphore_mem>>
        %dma_start3A_46 = arith.constant 0 : i32
        %dma_start3A_47 = tpu.memref_slice %arg8[%add3A_45, %dma_start3A_46] : memref<80x128xi32, #tpu.memory_space<vmem>> -> memref<1x128xi32, #tpu.memory_space<vmem>>
        %dma_start3A_48 = tpu.memref_squeeze %dma_start3A_47 : memref<1x128xi32, #tpu.memory_space<vmem>> -> memref<128xi32, #tpu.memory_space<vmem>>
        %dma_start3A_49 = arith.constant 0 : i32
        %dma_start3A_50 = arith.constant 0 : i32
        %dma_start3A_51 = tpu.memref_slice %arg11[%dma_start3A_49, %dma_start3A_50] : memref<20480x16xf32, #tpu.memory_space<vmem_shared>> -> memref<20480x16xf32, #tpu.memory_space<vmem_shared>>
        tpu.enqueue_indirect_dma source(%arg10 : memref<128x16xf32, #tpu.memory_space<vmem>>) target(%dma_start3A_51 : memref<20480x16xf32, #tpu.memory_space<vmem_shared>>) offsets(%dma_start3A_48 : memref<128xi32, #tpu.memory_space<vmem>>) semaphore(%run_scoped3A : memref<!tpu.dma_semaphore, #tpu.memory_space<semaphore_mem>>) {add = true}
        %dma_wait3A_52 = arith.constant 0 : i32
        %dma_wait3A_53 = tpu.memref_slice %arg8[%add3A_45, %dma_wait3A_52] : memref<80x128xi32, #tpu.memory_space<vmem>> -> memref<1x128xi32, #tpu.memory_space<vmem>>
        %dma_wait3A_54 = tpu.memref_squeeze %dma_wait3A_53 : memref<1x128xi32, #tpu.memory_space<vmem>> -> memref<128xi32, #tpu.memory_space<vmem>>
        %dma_wait3A_55 = arith.constant 0 : i32
        %dma_wait3A_56 = arith.constant 0 : i32
        %dma_wait3A_57 = tpu.memref_slice %arg11[%dma_wait3A_55, %dma_wait3A_56] : memref<20480x16xf32, #tpu.memory_space<vmem_shared>> -> memref<20480x16xf32, #tpu.memory_space<vmem_shared>>
        tpu.wait_indirect_dma semaphore(%run_scoped3A : memref<!tpu.dma_semaphore, #tpu.memory_space<semaphore_mem>>) src(%arg10 : memref<128x16xf32, #tpu.memory_space<vmem>>) dst(%dma_wait3A_57 : memref<20480x16xf32, #tpu.memory_space<vmem_shared>>)
        tpu.yield
      }) : () -> ()
    }
    %scan3A_9 = arith.constant 40 : i32
    %barrier3A_10 = arith.constant 0 : index
    tpu.barrier barrier_id(%barrier3A_10)
    "tpu.region"() ({
      %run_scoped3A = tpu.sem_alloc : memref<!tpu.dma_semaphore, #tpu.memory_space<semaphore_mem>>
      %dma_start3A = arith.constant 0 : i32
      %dma_start3A_11 = tpu.memref_slice %arg6[%arg0, %mul3A_0, %dma_start3A] : memref<2x20480x16xf32, #tpu.memory_space<hbm>> -> memref<1x1280x16xf32, #tpu.memory_space<hbm>>
      %dma_start3A_12 = tpu.memref_squeeze %dma_start3A_11 : memref<1x1280x16xf32, #tpu.memory_space<hbm>> -> memref<1280x16xf32, #tpu.memory_space<hbm>>
      %dma_start3A_13 = arith.constant 0 : i32
      %dma_start3A_14 = tpu.memref_slice %arg11[%mul3A_0, %dma_start3A_13] : memref<20480x16xf32, #tpu.memory_space<vmem_shared>> -> memref<1280x16xf32, #tpu.memory_space<vmem_shared>>
      tpu.enqueue_dma source(%dma_start3A_14 : memref<1280x16xf32, #tpu.memory_space<vmem_shared>>) target(%dma_start3A_12 : memref<1280x16xf32, #tpu.memory_space<hbm>>) target_semaphore(%run_scoped3A : memref<!tpu.dma_semaphore, #tpu.memory_space<semaphore_mem>>)
      %dma_wait3A = arith.constant 0 : i32
      %dma_wait3A_15 = tpu.memref_slice %arg6[%arg0, %mul3A_0, %dma_wait3A] : memref<2x20480x16xf32, #tpu.memory_space<hbm>> -> memref<1x1280x16xf32, #tpu.memory_space<hbm>>
      %dma_wait3A_16 = tpu.memref_squeeze %dma_wait3A_15 : memref<1x1280x16xf32, #tpu.memory_space<hbm>> -> memref<1280x16xf32, #tpu.memory_space<hbm>>
      %dma_wait3A_17 = arith.constant 0 : i32
      %dma_wait3A_18 = tpu.memref_slice %arg11[%mul3A_0, %dma_wait3A_17] : memref<20480x16xf32, #tpu.memory_space<vmem_shared>> -> memref<1280x16xf32, #tpu.memory_space<vmem_shared>>
      tpu.wait_dma2 semaphore(%run_scoped3A : memref<!tpu.dma_semaphore, #tpu.memory_space<semaphore_mem>>) src(%dma_wait3A_18 : memref<1280x16xf32, #tpu.memory_space<vmem_shared>>) dst(%dma_wait3A_16 : memref<1280x16xf32, #tpu.memory_space<hbm>>)
      tpu.yield
    }) : () -> ()
    return
  }
}

#map = affine_map<(d0, d1) -> (0, 0)>
#map1 = affine_map<(d0, d1) -> (0, 0, 0)>
module attributes {stable_mosaic.version = 14 : i64} {
  func.func @deg_pass(%arg0: i32, %arg1: i32, %arg2: memref<2560x128xi32, #tpu.memory_space<hbm>>, %arg3: memref<128x8xf32, #tpu.memory_space<hbm>>, %arg4: memref<20480x8xf32, #tpu.memory_space<hbm>>, %arg5: memref<2x20480x8xf32, #tpu.memory_space<hbm>>, %arg6: memref<80x128xi32, #tpu.memory_space<vmem>>, %arg7: memref<128x8xf32, #tpu.memory_space<vmem>>, %arg8: memref<20480x8xf32, #tpu.memory_space<vmem_shared>>, %arg9: memref<!tpu.dma_semaphore, #tpu.memory_space<semaphore_mem>>) attributes {dimension_semantics = [#tpu.dimension_semantics<core_parallel>, #tpu.dimension_semantics<subcore_parallel>], iteration_bounds = array<i64: 2, 16>, scalar_prefetch = 0 : i64, scratch_operands = 4 : i64, tpu.core_type = #tpu.core_type<sc_vector_subcore>, window_params = [{transform_indices = #map}, {transform_indices = #map}, {transform_indices = #map}, {transform_indices = #map1}]} {
    %mul3A = arith.constant 1280 : i32
    %mul3A_0 = arith.muli %arg1, %mul3A : i32
    "tpu.region"() ({
      %run_scoped3A = tpu.sem_alloc : memref<!tpu.dma_semaphore, #tpu.memory_space<semaphore_mem>>
      %dma_start3A = arith.constant 0 : i32
      %dma_start3A_11 = tpu.memref_slice %arg8[%mul3A_0, %dma_start3A] : memref<20480x8xf32, #tpu.memory_space<vmem_shared>> -> memref<1280x8xf32, #tpu.memory_space<vmem_shared>>
      %dma_start3A_12 = arith.constant 0 : i32
      %dma_start3A_13 = tpu.memref_slice %arg4[%mul3A_0, %dma_start3A_12] : memref<20480x8xf32, #tpu.memory_space<hbm>> -> memref<1280x8xf32, #tpu.memory_space<hbm>>
      tpu.enqueue_dma source(%dma_start3A_13 : memref<1280x8xf32, #tpu.memory_space<hbm>>) target(%dma_start3A_11 : memref<1280x8xf32, #tpu.memory_space<vmem_shared>>) target_semaphore(%run_scoped3A : memref<!tpu.dma_semaphore, #tpu.memory_space<semaphore_mem>>)
      %dma_wait3A = arith.constant 0 : i32
      %dma_wait3A_14 = tpu.memref_slice %arg8[%mul3A_0, %dma_wait3A] : memref<20480x8xf32, #tpu.memory_space<vmem_shared>> -> memref<1280x8xf32, #tpu.memory_space<vmem_shared>>
      %dma_wait3A_15 = arith.constant 0 : i32
      %dma_wait3A_16 = tpu.memref_slice %arg4[%mul3A_0, %dma_wait3A_15] : memref<20480x8xf32, #tpu.memory_space<hbm>> -> memref<1280x8xf32, #tpu.memory_space<hbm>>
      tpu.wait_dma2 semaphore(%run_scoped3A : memref<!tpu.dma_semaphore, #tpu.memory_space<semaphore_mem>>) src(%dma_wait3A_16 : memref<1280x8xf32, #tpu.memory_space<hbm>>) dst(%dma_wait3A_14 : memref<1280x8xf32, #tpu.memory_space<vmem_shared>>)
      tpu.yield
    }) : () -> ()
    %mul3A_1 = arith.constant 16 : i32
    %mul3A_2 = arith.muli %arg0, %mul3A_1 : i32
    %add3A = arith.addi %mul3A_2, %arg1 : i32
    %mul3A_3 = arith.constant 80 : i32
    %mul3A_4 = arith.muli %add3A, %mul3A_3 : i32
    "tpu.region"() ({
      %run_scoped3A = tpu.sem_alloc : memref<!tpu.dma_semaphore, #tpu.memory_space<semaphore_mem>>
      %dma_start3A = arith.constant 0 : i32
      %dma_start3A_11 = tpu.memref_slice %arg2[%mul3A_4, %dma_start3A] : memref<2560x128xi32, #tpu.memory_space<hbm>> -> memref<80x128xi32, #tpu.memory_space<hbm>>
      %dma_start3A_12 = arith.constant 0 : i32
      %dma_start3A_13 = tpu.memref_slice %arg2[%mul3A_4, %dma_start3A_12] : memref<2560x128xi32, #tpu.memory_space<hbm>> -> memref<80x128xi32, #tpu.memory_space<hbm>>
      tpu.enqueue_dma source(%dma_start3A_13 : memref<80x128xi32, #tpu.memory_space<hbm>>) target(%arg6 : memref<80x128xi32, #tpu.memory_space<vmem>>) target_semaphore(%run_scoped3A : memref<!tpu.dma_semaphore, #tpu.memory_space<semaphore_mem>>)
      %dma_wait3A = arith.constant 0 : i32
      %dma_wait3A_14 = tpu.memref_slice %arg2[%mul3A_4, %dma_wait3A] : memref<2560x128xi32, #tpu.memory_space<hbm>> -> memref<80x128xi32, #tpu.memory_space<hbm>>
      %dma_wait3A_15 = arith.constant 0 : i32
      %dma_wait3A_16 = tpu.memref_slice %arg2[%mul3A_4, %dma_wait3A_15] : memref<2560x128xi32, #tpu.memory_space<hbm>> -> memref<80x128xi32, #tpu.memory_space<hbm>>
      tpu.wait_dma2 semaphore(%run_scoped3A : memref<!tpu.dma_semaphore, #tpu.memory_space<semaphore_mem>>) src(%dma_wait3A_16 : memref<80x128xi32, #tpu.memory_space<hbm>>) dst(%arg6 : memref<80x128xi32, #tpu.memory_space<vmem>>)
      tpu.yield
    }) : () -> ()
    "tpu.region"() ({
      %run_scoped3A = tpu.sem_alloc : memref<!tpu.dma_semaphore, #tpu.memory_space<semaphore_mem>>
      tpu.enqueue_dma source(%arg3 : memref<128x8xf32, #tpu.memory_space<hbm>>) target(%arg7 : memref<128x8xf32, #tpu.memory_space<vmem>>) target_semaphore(%run_scoped3A : memref<!tpu.dma_semaphore, #tpu.memory_space<semaphore_mem>>)
      tpu.wait_dma2 semaphore(%run_scoped3A : memref<!tpu.dma_semaphore, #tpu.memory_space<semaphore_mem>>) src(%arg3 : memref<128x8xf32, #tpu.memory_space<hbm>>) dst(%arg7 : memref<128x8xf32, #tpu.memory_space<vmem>>)
      tpu.yield
    }) : () -> ()
    %barrier3A = arith.constant 0 : index
    tpu.barrier barrier_id(%barrier3A)
    %scan3A = arith.constant 0 : i32
    %scan3A_5 = arith.constant 0 : i32
    %scan3A_6 = arith.constant 80 : i32
    %scan3A_7 = arith.addi %scan3A_5, %scan3A_6 : i32
    %scan3A_8 = arith.constant 1 : i32
    scf.for %scan3A_11 = %scan3A_5 to %scan3A_7 step %scan3A_8  : i32 {
      "tpu.region"() ({
        %run_scoped3A = tpu.sem_alloc : memref<!tpu.dma_semaphore, #tpu.memory_space<semaphore_mem>>
        %dma_start3A = arith.constant 0 : i32
        %dma_start3A_12 = tpu.memref_slice %arg6[%scan3A_11, %dma_start3A] : memref<80x128xi32, #tpu.memory_space<vmem>> -> memref<1x128xi32, #tpu.memory_space<vmem>>
        %dma_start3A_13 = tpu.memref_squeeze %dma_start3A_12 : memref<1x128xi32, #tpu.memory_space<vmem>> -> memref<128xi32, #tpu.memory_space<vmem>>
        %dma_start3A_14 = arith.constant 0 : i32
        %dma_start3A_15 = arith.constant 0 : i32
        %dma_start3A_16 = tpu.memref_slice %arg8[%dma_start3A_14, %dma_start3A_15] : memref<20480x8xf32, #tpu.memory_space<vmem_shared>> -> memref<20480x8xf32, #tpu.memory_space<vmem_shared>>
        tpu.enqueue_indirect_dma source(%arg7 : memref<128x8xf32, #tpu.memory_space<vmem>>) target(%dma_start3A_16 : memref<20480x8xf32, #tpu.memory_space<vmem_shared>>) offsets(%dma_start3A_13 : memref<128xi32, #tpu.memory_space<vmem>>) semaphore(%run_scoped3A : memref<!tpu.dma_semaphore, #tpu.memory_space<semaphore_mem>>) {add = true}
        %dma_wait3A = arith.constant 0 : i32
        %dma_wait3A_17 = tpu.memref_slice %arg6[%scan3A_11, %dma_wait3A] : memref<80x128xi32, #tpu.memory_space<vmem>> -> memref<1x128xi32, #tpu.memory_space<vmem>>
        %dma_wait3A_18 = tpu.memref_squeeze %dma_wait3A_17 : memref<1x128xi32, #tpu.memory_space<vmem>> -> memref<128xi32, #tpu.memory_space<vmem>>
        %dma_wait3A_19 = arith.constant 0 : i32
        %dma_wait3A_20 = arith.constant 0 : i32
        %dma_wait3A_21 = tpu.memref_slice %arg8[%dma_wait3A_19, %dma_wait3A_20] : memref<20480x8xf32, #tpu.memory_space<vmem_shared>> -> memref<20480x8xf32, #tpu.memory_space<vmem_shared>>
        tpu.wait_indirect_dma semaphore(%run_scoped3A : memref<!tpu.dma_semaphore, #tpu.memory_space<semaphore_mem>>) src(%arg7 : memref<128x8xf32, #tpu.memory_space<vmem>>) dst(%dma_wait3A_21 : memref<20480x8xf32, #tpu.memory_space<vmem_shared>>)
        tpu.yield
      }) : () -> ()
    }
    %scan3A_9 = arith.constant 80 : i32
    %barrier3A_10 = arith.constant 0 : index
    tpu.barrier barrier_id(%barrier3A_10)
    "tpu.region"() ({
      %run_scoped3A = tpu.sem_alloc : memref<!tpu.dma_semaphore, #tpu.memory_space<semaphore_mem>>
      %dma_start3A = arith.constant 0 : i32
      %dma_start3A_11 = tpu.memref_slice %arg5[%arg0, %mul3A_0, %dma_start3A] : memref<2x20480x8xf32, #tpu.memory_space<hbm>> -> memref<1x1280x8xf32, #tpu.memory_space<hbm>>
      %dma_start3A_12 = tpu.memref_squeeze %dma_start3A_11 : memref<1x1280x8xf32, #tpu.memory_space<hbm>> -> memref<1280x8xf32, #tpu.memory_space<hbm>>
      %dma_start3A_13 = arith.constant 0 : i32
      %dma_start3A_14 = tpu.memref_slice %arg8[%mul3A_0, %dma_start3A_13] : memref<20480x8xf32, #tpu.memory_space<vmem_shared>> -> memref<1280x8xf32, #tpu.memory_space<vmem_shared>>
      tpu.enqueue_dma source(%dma_start3A_14 : memref<1280x8xf32, #tpu.memory_space<vmem_shared>>) target(%dma_start3A_12 : memref<1280x8xf32, #tpu.memory_space<hbm>>) target_semaphore(%run_scoped3A : memref<!tpu.dma_semaphore, #tpu.memory_space<semaphore_mem>>)
      %dma_wait3A = arith.constant 0 : i32
      %dma_wait3A_15 = tpu.memref_slice %arg5[%arg0, %mul3A_0, %dma_wait3A] : memref<2x20480x8xf32, #tpu.memory_space<hbm>> -> memref<1x1280x8xf32, #tpu.memory_space<hbm>>
      %dma_wait3A_16 = tpu.memref_squeeze %dma_wait3A_15 : memref<1x1280x8xf32, #tpu.memory_space<hbm>> -> memref<1280x8xf32, #tpu.memory_space<hbm>>
      %dma_wait3A_17 = arith.constant 0 : i32
      %dma_wait3A_18 = tpu.memref_slice %arg8[%mul3A_0, %dma_wait3A_17] : memref<20480x8xf32, #tpu.memory_space<vmem_shared>> -> memref<1280x8xf32, #tpu.memory_space<vmem_shared>>
      tpu.wait_dma2 semaphore(%run_scoped3A : memref<!tpu.dma_semaphore, #tpu.memory_space<semaphore_mem>>) src(%dma_wait3A_18 : memref<1280x8xf32, #tpu.memory_space<vmem_shared>>) dst(%dma_wait3A_16 : memref<1280x8xf32, #tpu.memory_space<hbm>>)
      tpu.yield
    }) : () -> ()
    return
  }
}

module attributes {stable_mosaic.version = 14 : i64} {
  func.func @body(%arg0: i32, %arg1: memref<2048x8xf32, #tpu.memory_space<vmem>>, %arg2: memref<2048x8xf32, #tpu.memory_space<vmem>>, %arg3: memref<2048x8xf32, #tpu.memory_space<vmem>>, %arg4: memref<2048x1xf32, #tpu.memory_space<vmem>>, %arg5: memref<2048x8xf32, #tpu.memory_space<vmem>>) attributes {dimension_semantics = [#tpu.dimension_semantics<arbitrary>], iteration_bounds = array<i64: 10>, scalar_prefetch = 0 : i64, scratch_operands = 0 : i64, tpu.core_type = #tpu.core_type<tc>, window_params = [{transform_indices = @transform_0, window_bounds = array<i64: 2048, 8>}, {transform_indices = @transform_1, window_bounds = array<i64: 2048, 8>}, {transform_indices = @transform_2, window_bounds = array<i64: 2048, 8>}, {transform_indices = @transform_3, window_bounds = array<i64: 2048, 1>}, {transform_indices = @transform_4, window_bounds = array<i64: 2048, 8>}]} {
    %get3A = arith.constant 0 : index
    %get3A_0 = arith.constant 0 : index
    %get3A_1 = vector.load %arg1[%get3A, %get3A_0] : memref<2048x8xf32, #tpu.memory_space<vmem>>, vector<2048x1xf32>
    %add3A = arith.constant 1.000000e+00 : f32
    %add3A_2 = vector.broadcast %add3A : f32 to vector<2048x1xf32>
    %add3A_3 = arith.addf %add3A_2, %get3A_1 : vector<2048x1xf32>
    %get3A_4 = arith.constant 0 : index
    %get3A_5 = arith.constant 0 : index
    %get3A_6 = vector.load %arg2[%get3A_4, %get3A_5] : memref<2048x8xf32, #tpu.memory_space<vmem>>, vector<2048x1xf32>
    %add3A_7 = arith.addf %add3A_3, %get3A_6 : vector<2048x1xf32>
    %rsqrt3A = math.rsqrt %add3A_7 : vector<2048x1xf32>
    %swap3A = arith.constant 0 : index
    %swap3A_8 = arith.constant 0 : index
    %swap3A_9 = vector.load %arg4[%swap3A, %swap3A_8] : memref<2048x1xf32, #tpu.memory_space<vmem>>, vector<2048x1xf32>
    tpu.vector_store %arg4[%swap3A, %swap3A_8], %rsqrt3A {strides = array<i32>} : memref<2048x1xf32, #tpu.memory_space<vmem>>, vector<2048x1xf32>,
    %get3A_10 = arith.constant 0 : index
    %get3A_11 = arith.constant 0 : index
    %get3A_12 = vector.load %arg3[%get3A_10, %get3A_11] : memref<2048x8xf32, #tpu.memory_space<vmem>>, vector<2048x8xf32>
    %mul3A = vector.broadcast %rsqrt3A : vector<2048x1xf32> to vector<2048x8xf32>
    %mul3A_13 = arith.mulf %mul3A, %get3A_12 : vector<2048x8xf32>
    %swap3A_14 = arith.constant 0 : index
    %swap3A_15 = arith.constant 0 : index
    %swap3A_16 = vector.load %arg5[%swap3A_14, %swap3A_15] : memref<2048x8xf32, #tpu.memory_space<vmem>>, vector<2048x8xf32>
    tpu.vector_store %arg5[%swap3A_14, %swap3A_15], %mul3A_13 {strides = array<i32>} : memref<2048x8xf32, #tpu.memory_space<vmem>>, vector<2048x8xf32>,
    return
  }
  func.func @transform_0(%arg0: i32) -> (i32, i32) {
    %c0_i32 = arith.constant 0 : i32
    %c0_i32_0 = arith.constant 0 : i32
    return %arg0, %c0_i32 : i32, i32
  }
  func.func @transform_1(%arg0: i32) -> (i32, i32) {
    %c0_i32 = arith.constant 0 : i32
    %c0_i32_0 = arith.constant 0 : i32
    return %arg0, %c0_i32 : i32, i32
  }
  func.func @transform_2(%arg0: i32) -> (i32, i32) {
    %c0_i32 = arith.constant 0 : i32
    %c0_i32_0 = arith.constant 0 : i32
    return %arg0, %c0_i32 : i32, i32
  }
  func.func @transform_3(%arg0: i32) -> (i32, i32) {
    %c0_i32 = arith.constant 0 : i32
    %c0_i32_0 = arith.constant 0 : i32
    return %arg0, %c0_i32 : i32, i32
  }
  func.func @transform_4(%arg0: i32) -> (i32, i32) {
    %c0_i32 = arith.constant 0 : i32
    %c0_i32_0 = arith.constant 0 : i32
    return %arg0, %c0_i32 : i32, i32
  }
}

module attributes {stable_mosaic.version = 14 : i64} {
  func.func @body(%arg0: i32, %arg1: memref<2048x8xf32, #tpu.memory_space<vmem>>, %arg2: memref<2048x8xf32, #tpu.memory_space<vmem>>, %arg3: memref<2048x8xf32, #tpu.memory_space<vmem>>, %arg4: memref<2048x1xf32, #tpu.memory_space<vmem>>, %arg5: memref<2048x16xf32, #tpu.memory_space<vmem>>) attributes {dimension_semantics = [#tpu.dimension_semantics<arbitrary>], iteration_bounds = array<i64: 10>, scalar_prefetch = 0 : i64, scratch_operands = 0 : i64, tpu.core_type = #tpu.core_type<tc>, window_params = [{transform_indices = @transform_0, window_bounds = array<i64: 2048, 8>}, {transform_indices = @transform_1, window_bounds = array<i64: 2048, 8>}, {transform_indices = @transform_2, window_bounds = array<i64: 2048, 8>}, {transform_indices = @transform_3, window_bounds = array<i64: 2048, 1>}, {transform_indices = @transform_4, window_bounds = array<i64: 2048, 16>}]} {
    %get3A = arith.constant 0 : index
    %get3A_0 = arith.constant 0 : index
    %get3A_1 = vector.load %arg4[%get3A, %get3A_0] : memref<2048x1xf32, #tpu.memory_space<vmem>>, vector<2048x1xf32>
    %get3A_2 = arith.constant 0 : index
    %get3A_3 = arith.constant 0 : index
    %get3A_4 = vector.load %arg1[%get3A_2, %get3A_3] : memref<2048x8xf32, #tpu.memory_space<vmem>>, vector<2048x8xf32>
    %get3A_5 = arith.constant 0 : index
    %get3A_6 = arith.constant 0 : index
    %get3A_7 = vector.load %arg2[%get3A_5, %get3A_6] : memref<2048x8xf32, #tpu.memory_space<vmem>>, vector<2048x8xf32>
    %add3A = arith.addf %get3A_4, %get3A_7 : vector<2048x8xf32>
    %get3A_8 = arith.constant 0 : index
    %get3A_9 = arith.constant 0 : index
    %get3A_10 = vector.load %arg3[%get3A_8, %get3A_9] : memref<2048x8xf32, #tpu.memory_space<vmem>>, vector<2048x8xf32>
    %add3A_11 = arith.addf %add3A, %get3A_10 : vector<2048x8xf32>
    %mul3A = vector.broadcast %get3A_1 : vector<2048x1xf32> to vector<2048x8xf32>
    %mul3A_12 = arith.mulf %mul3A, %add3A_11 : vector<2048x8xf32>
    %max3A = arith.constant 0.000000e+00 : f32
    %max3A_13 = vector.broadcast %max3A : f32 to vector<2048x8xf32>
    %max3A_14 = arith.maximumf %mul3A_12, %max3A_13 : vector<2048x8xf32>
    %sub3A = arith.subf %mul3A_12, %max3A_14 : vector<2048x8xf32>
    %mul3A_15 = vector.broadcast %get3A_1 : vector<2048x1xf32> to vector<2048x8xf32>
    %mul3A_16 = arith.mulf %mul3A_15, %max3A_14 : vector<2048x8xf32>
    %swap3A = arith.constant 0 : index
    %swap3A_17 = arith.constant 0 : index
    %swap3A_18 = vector.load %arg5[%swap3A, %swap3A_17] : memref<2048x16xf32, #tpu.memory_space<vmem>>, vector<2048x8xf32>
    tpu.vector_store %arg5[%swap3A, %swap3A_17], %mul3A_16 {strides = array<i32>} : memref<2048x16xf32, #tpu.memory_space<vmem>>, vector<2048x8xf32>,
    %mul3A_19 = vector.broadcast %get3A_1 : vector<2048x1xf32> to vector<2048x8xf32>
    %mul3A_20 = arith.mulf %mul3A_19, %sub3A : vector<2048x8xf32>
    %swap3A_21 = arith.constant 0 : index
    %swap3A_22 = arith.constant 8 : index
    %swap3A_23 = vector.load %arg5[%swap3A_21, %swap3A_22] : memref<2048x16xf32, #tpu.memory_space<vmem>>, vector<2048x8xf32>
    tpu.vector_store %arg5[%swap3A_21, %swap3A_22], %mul3A_20 {strides = array<i32>} : memref<2048x16xf32, #tpu.memory_space<vmem>>, vector<2048x8xf32>,
    return
  }
  func.func @transform_0(%arg0: i32) -> (i32, i32) {
    %c0_i32 = arith.constant 0 : i32
    %c0_i32_0 = arith.constant 0 : i32
    return %arg0, %c0_i32 : i32, i32
  }
  func.func @transform_1(%arg0: i32) -> (i32, i32) {
    %c0_i32 = arith.constant 0 : i32
    %c0_i32_0 = arith.constant 0 : i32
    return %arg0, %c0_i32 : i32, i32
  }
  func.func @transform_2(%arg0: i32) -> (i32, i32) {
    %c0_i32 = arith.constant 0 : i32
    %c0_i32_0 = arith.constant 0 : i32
    return %arg0, %c0_i32 : i32, i32
  }
  func.func @transform_3(%arg0: i32) -> (i32, i32) {
    %c0_i32 = arith.constant 0 : i32
    %c0_i32_0 = arith.constant 0 : i32
    return %arg0, %c0_i32 : i32, i32
  }
  func.func @transform_4(%arg0: i32) -> (i32, i32) {
    %c0_i32 = arith.constant 0 : i32
    %c0_i32_0 = arith.constant 0 : i32
    return %arg0, %c0_i32 : i32, i32
  }
}

module attributes {stable_mosaic.version = 14 : i64} {
  func.func @body(%arg0: i32, %arg1: memref<2048x16xf32, #tpu.memory_space<vmem>>, %arg2: memref<2048x16xf32, #tpu.memory_space<vmem>>, %arg3: memref<2048x16xf32, #tpu.memory_space<vmem>>, %arg4: memref<2048x1xf32, #tpu.memory_space<vmem>>, %arg5: memref<1x64xf32, #tpu.memory_space<vmem>>, %arg6: memref<64x64xf32, #tpu.memory_space<vmem>>, %arg7: memref<64x256xf32, #tpu.memory_space<vmem>>, %arg8: memref<64x256xf32, #tpu.memory_space<vmem>>, %arg9: memref<1x256xf32, #tpu.memory_space<vmem>>, %arg10: memref<1x64xf32, #tpu.memory_space<vmem>>, %arg11: memref<64x1xf32, #tpu.memory_space<vmem>>, %arg12: memref<1x1xf32, #tpu.memory_space<vmem>>, %arg13: memref<2048x1xf32, #tpu.memory_space<vmem>>) attributes {dimension_semantics = [#tpu.dimension_semantics<arbitrary>], iteration_bounds = array<i64: 10>, scalar_prefetch = 0 : i64, scratch_operands = 0 : i64, tpu.core_type = #tpu.core_type<tc>, window_params = [{transform_indices = @transform_0, window_bounds = array<i64: 2048, 16>}, {transform_indices = @transform_1, window_bounds = array<i64: 2048, 16>}, {transform_indices = @transform_2, window_bounds = array<i64: 2048, 16>}, {transform_indices = @transform_3, window_bounds = array<i64: 2048, 1>}, {pipeline_mode = #tpu.pipeline_mode<synchronous>, transform_indices = @transform_4, window_bounds = array<i64: 1, 64>}, {pipeline_mode = #tpu.pipeline_mode<synchronous>, transform_indices = @transform_5, window_bounds = array<i64: 64, 64>}, {pipeline_mode = #tpu.pipeline_mode<synchronous>, transform_indices = @transform_6, window_bounds = array<i64: 64, 256>}, {pipeline_mode = #tpu.pipeline_mode<synchronous>, transform_indices = @transform_7, window_bounds = array<i64: 64, 256>}, {pipeline_mode = #tpu.pipeline_mode<synchronous>, transform_indices = @transform_8, window_bounds = array<i64: 1, 256>}, {pipeline_mode = #tpu.pipeline_mode<synchronous>, transform_indices = @transform_9, window_bounds = array<i64: 1, 64>}, {pipeline_mode = #tpu.pipeline_mode<synchronous>, transform_indices = @transform_10, window_bounds = array<i64: 64, 1>}, {pipeline_mode = #tpu.pipeline_mode<synchronous>, transform_indices = @transform_11, window_bounds = array<i64: 1, 1>}, {transform_indices = @transform_12, window_bounds = array<i64: 2048, 1>}]} {
    %get3A = arith.constant 0 : index
    %get3A_0 = arith.constant 0 : index
    %get3A_1 = vector.load %arg5[%get3A, %get3A_0] : memref<1x64xf32, #tpu.memory_space<vmem>>, vector<1x64xf32>
    %max3A = arith.constant 0.000000e+00 : f32
    %max3A_2 = vector.broadcast %max3A : f32 to vector<1x64xf32>
    %max3A_3 = arith.maximumf %get3A_1, %max3A_2 : vector<1x64xf32>
    %get3A_4 = arith.constant 0 : index
    %get3A_5 = arith.constant 0 : index
    %get3A_6 = vector.load %arg6[%get3A_4, %get3A_5] : memref<64x64xf32, #tpu.memory_space<vmem>>, vector<64x64xf32>
    %dot_general3A = arith.constant dense<0.000000e+00> : vector<1x64xf32>
    %dot_general3A_7 = tpu.matmul %max3A_3, %get3A_6, %dot_general3A {dimension_numbers = #tpu.dot_dimension_numbers<[1], [0], [0], [1], [0, 0, 1, 1], [], []>, precision = #tpu.contract_precision<fp32>, transpose_lhs_hint = false} : vector<1x64xf32>, vector<64x64xf32>, vector<1x64xf32> -> vector<1x64xf32>
    %min3A = arith.constant 0.000000e+00 : f32
    %min3A_8 = vector.broadcast %min3A : f32 to vector<1x64xf32>
    %min3A_9 = arith.minimumf %get3A_1, %min3A_8 : vector<1x64xf32>
    %get3A_10 = arith.constant 0 : index
    %get3A_11 = arith.constant 0 : index
    %get3A_12 = vector.load %arg6[%get3A_10, %get3A_11] : memref<64x64xf32, #tpu.memory_space<vmem>>, vector<64x64xf32>
    %dot_general3A_13 = arith.constant dense<0.000000e+00> : vector<1x64xf32>
    %dot_general3A_14 = tpu.matmul %min3A_9, %get3A_12, %dot_general3A_13 {dimension_numbers = #tpu.dot_dimension_numbers<[1], [0], [0], [1], [0, 0, 1, 1], [], []>, precision = #tpu.contract_precision<fp32>, transpose_lhs_hint = false} : vector<1x64xf32>, vector<64x64xf32>, vector<1x64xf32> -> vector<1x64xf32>
    %get3A_15 = arith.constant 0 : index
    %get3A_16 = arith.constant 0 : index
    %get3A_17 = vector.load %arg7[%get3A_15, %get3A_16] : memref<64x256xf32, #tpu.memory_space<vmem>>, vector<64x256xf32>
    %dot_general3A_18 = arith.constant dense<0.000000e+00> : vector<1x256xf32>
    %dot_general3A_19 = tpu.matmul %dot_general3A_7, %get3A_17, %dot_general3A_18 {dimension_numbers = #tpu.dot_dimension_numbers<[1], [0], [0], [1], [0, 0, 1, 1], [], []>, precision = #tpu.contract_precision<fp32>, transpose_lhs_hint = false} : vector<1x64xf32>, vector<64x256xf32>, vector<1x256xf32> -> vector<1x256xf32>
    %dot_general3A_20 = arith.constant dense<0.000000e+00> : vector<1x256xf32>
    %dot_general3A_21 = tpu.matmul %dot_general3A_14, %get3A_17, %dot_general3A_20 {dimension_numbers = #tpu.dot_dimension_numbers<[1], [0], [0], [1], [0, 0, 1, 1], [], []>, precision = #tpu.contract_precision<fp32>, transpose_lhs_hint = false} : vector<1x64xf32>, vector<64x256xf32>, vector<1x256xf32> -> vector<1x256xf32>
    %get3A_22 = arith.constant 0 : index
    %get3A_23 = arith.constant 0 : index
    %get3A_24 = vector.load %arg10[%get3A_22, %get3A_23] : memref<1x64xf32, #tpu.memory_space<vmem>>, vector<1x64xf32>
    %dot_general3A_25 = arith.constant dense<0.000000e+00> : vector<1x256xf32>
    %dot_general3A_26 = tpu.matmul %get3A_24, %get3A_17, %dot_general3A_25 {dimension_numbers = #tpu.dot_dimension_numbers<[1], [0], [0], [1], [0, 0, 1, 1], [], []>, precision = #tpu.contract_precision<fp32>, transpose_lhs_hint = false} : vector<1x64xf32>, vector<64x256xf32>, vector<1x256xf32> -> vector<1x256xf32>
    %get3A_27 = arith.constant 0 : index
    %get3A_28 = arith.constant 0 : index
    %get3A_29 = vector.load %arg9[%get3A_27, %get3A_28] : memref<1x256xf32, #tpu.memory_space<vmem>>, vector<1x256xf32>
    %add3A = arith.addf %dot_general3A_26, %get3A_29 : vector<1x256xf32>
    %get3A_30 = arith.constant 0 : index
    %get3A_31 = arith.constant 0 : index
    %get3A_32 = vector.load %arg8[%get3A_30, %get3A_31] : memref<64x256xf32, #tpu.memory_space<vmem>>, vector<64x256xf32>
    %get3A_33 = arith.constant 0 : index
    %get3A_34 = arith.constant 0 : index
    %get3A_35 = vector.load %arg4[%get3A_33, %get3A_34] : memref<2048x1xf32, #tpu.memory_space<vmem>>, vector<2048x1xf32>
    %get3A_36 = arith.constant 0 : index
    %get3A_37 = arith.constant 0 : index
    %get3A_38 = vector.load %arg1[%get3A_36, %get3A_37] : memref<2048x16xf32, #tpu.memory_space<vmem>>, vector<2048x16xf32>
    %get3A_39 = arith.constant 0 : index
    %get3A_40 = arith.constant 0 : index
    %get3A_41 = vector.load %arg2[%get3A_39, %get3A_40] : memref<2048x16xf32, #tpu.memory_space<vmem>>, vector<2048x16xf32>
    %add3A_42 = arith.addf %get3A_38, %get3A_41 : vector<2048x16xf32>
    %get3A_43 = arith.constant 0 : index
    %get3A_44 = arith.constant 0 : index
    %get3A_45 = vector.load %arg3[%get3A_43, %get3A_44] : memref<2048x16xf32, #tpu.memory_space<vmem>>, vector<2048x16xf32>
    %add3A_46 = arith.addf %add3A_42, %get3A_45 : vector<2048x16xf32>
    %mul3A = vector.broadcast %get3A_35 : vector<2048x1xf32> to vector<2048x16xf32>
    %mul3A_47 = arith.mulf %mul3A, %add3A_46 : vector<2048x16xf32>
    %broadcast_in_dim3A = arith.constant 0.000000e+00 : f32
    %broadcast_in_dim3A_48 = vector.broadcast %broadcast_in_dim3A : f32 to vector<2048x64xf32>
    %broadcast_in_dim3A_49 = arith.constant 0.000000e+00 : f32
    %broadcast_in_dim3A_50 = vector.broadcast %broadcast_in_dim3A_49 : f32 to vector<2048x64xf32>
    %slice3A = vector.extract_strided_slice %mul3A_47 {offsets = [0, 0], sizes = [2048, 1], strides = [1, 1]} : vector<2048x16xf32> to vector<2048x1xf32>
    %mul3A_51 = vector.broadcast %slice3A : vector<2048x1xf32> to vector<2048x256xf32>
    %mul3A_52 = vector.broadcast %dot_general3A_19 : vector<1x256xf32> to vector<2048x256xf32>
    %mul3A_53 = arith.mulf %mul3A_51, %mul3A_52 : vector<2048x256xf32>
    %slice3A_54 = vector.extract_strided_slice %mul3A_47 {offsets = [0, 8], sizes = [2048, 1], strides = [1, 1]} : vector<2048x16xf32> to vector<2048x1xf32>
    %mul3A_55 = vector.broadcast %slice3A_54 : vector<2048x1xf32> to vector<2048x256xf32>
    %mul3A_56 = vector.broadcast %dot_general3A_21 : vector<1x256xf32> to vector<2048x256xf32>
    %mul3A_57 = arith.mulf %mul3A_55, %mul3A_56 : vector<2048x256xf32>
    %add3A_58 = arith.addf %mul3A_53, %mul3A_57 : vector<2048x256xf32>
    %add3A_59 = vector.broadcast %add3A : vector<1x256xf32> to vector<2048x256xf32>
    %add3A_60 = arith.addf %add3A_58, %add3A_59 : vector<2048x256xf32>
    %dot_general3A_61 = arith.constant dense<0.000000e+00> : vector<2048x256xf32>
    %dot_general3A_62 = tpu.matmul %broadcast_in_dim3A_48, %get3A_32, %dot_general3A_61 {dimension_numbers = #tpu.dot_dimension_numbers<[1], [0], [0], [1], [0, 0, 1, 1], [], []>, precision = #tpu.contract_precision<fp32>, transpose_lhs_hint = false} : vector<2048x64xf32>, vector<64x256xf32>, vector<2048x256xf32> -> vector<2048x256xf32>
    %add3A_63 = arith.addf %add3A_60, %dot_general3A_62 : vector<2048x256xf32>
    %slice3A_64 = vector.extract_strided_slice %add3A_63 {offsets = [0, 0], sizes = [2048, 64], strides = [1, 1]} : vector<2048x256xf32> to vector<2048x64xf32>
    %logistic3A = arith.negf %slice3A_64 : vector<2048x64xf32>
    %logistic3A_65 = math.exp %logistic3A : vector<2048x64xf32>
    %logistic3A_66 = arith.constant 1.000000e+00 : f32
    %logistic3A_67 = vector.broadcast %logistic3A_66 : f32 to vector<2048x64xf32>
    %logistic3A_68 = arith.addf %logistic3A_67, %logistic3A_65 : vector<2048x64xf32>
    %logistic3A_69 = arith.divf %logistic3A_67, %logistic3A_68 : vector<2048x64xf32>
    %slice3A_70 = vector.extract_strided_slice %add3A_63 {offsets = [0, 64], sizes = [2048, 64], strides = [1, 1]} : vector<2048x256xf32> to vector<2048x64xf32>
    %logistic3A_71 = arith.negf %slice3A_70 : vector<2048x64xf32>
    %logistic3A_72 = math.exp %logistic3A_71 : vector<2048x64xf32>
    %logistic3A_73 = arith.constant 1.000000e+00 : f32
    %logistic3A_74 = vector.broadcast %logistic3A_73 : f32 to vector<2048x64xf32>
    %logistic3A_75 = arith.addf %logistic3A_74, %logistic3A_72 : vector<2048x64xf32>
    %logistic3A_76 = arith.divf %logistic3A_74, %logistic3A_75 : vector<2048x64xf32>
    %slice3A_77 = vector.extract_strided_slice %add3A_63 {offsets = [0, 128], sizes = [2048, 64], strides = [1, 1]} : vector<2048x256xf32> to vector<2048x64xf32>
    %tanh3A = math.tanh %slice3A_77 : vector<2048x64xf32>
    %slice3A_78 = vector.extract_strided_slice %add3A_63 {offsets = [0, 192], sizes = [2048, 64], strides = [1, 1]} : vector<2048x256xf32> to vector<2048x64xf32>
    %logistic3A_79 = arith.negf %slice3A_78 : vector<2048x64xf32>
    %logistic3A_80 = math.exp %logistic3A_79 : vector<2048x64xf32>
    %logistic3A_81 = arith.constant 1.000000e+00 : f32
    %logistic3A_82 = vector.broadcast %logistic3A_81 : f32 to vector<2048x64xf32>
    %logistic3A_83 = arith.addf %logistic3A_82, %logistic3A_80 : vector<2048x64xf32>
    %logistic3A_84 = arith.divf %logistic3A_82, %logistic3A_83 : vector<2048x64xf32>
    %mul3A_85 = arith.mulf %logistic3A_76, %broadcast_in_dim3A_50 : vector<2048x64xf32>
    %mul3A_86 = arith.mulf %logistic3A_69, %tanh3A : vector<2048x64xf32>
    %add3A_87 = arith.addf %mul3A_85, %mul3A_86 : vector<2048x64xf32>
    %tanh3A_88 = math.tanh %add3A_87 : vector<2048x64xf32>
    %mul3A_89 = arith.mulf %logistic3A_84, %tanh3A_88 : vector<2048x64xf32>
    %slice3A_90 = vector.extract_strided_slice %mul3A_47 {offsets = [0, 1], sizes = [2048, 1], strides = [1, 1]} : vector<2048x16xf32> to vector<2048x1xf32>
    %mul3A_91 = vector.broadcast %slice3A_90 : vector<2048x1xf32> to vector<2048x256xf32>
    %mul3A_92 = vector.broadcast %dot_general3A_19 : vector<1x256xf32> to vector<2048x256xf32>
    %mul3A_93 = arith.mulf %mul3A_91, %mul3A_92 : vector<2048x256xf32>
    %slice3A_94 = vector.extract_strided_slice %mul3A_47 {offsets = [0, 9], sizes = [2048, 1], strides = [1, 1]} : vector<2048x16xf32> to vector<2048x1xf32>
    %mul3A_95 = vector.broadcast %slice3A_94 : vector<2048x1xf32> to vector<2048x256xf32>
    %mul3A_96 = vector.broadcast %dot_general3A_21 : vector<1x256xf32> to vector<2048x256xf32>
    %mul3A_97 = arith.mulf %mul3A_95, %mul3A_96 : vector<2048x256xf32>
    %add3A_98 = arith.addf %mul3A_93, %mul3A_97 : vector<2048x256xf32>
    %add3A_99 = vector.broadcast %add3A : vector<1x256xf32> to vector<2048x256xf32>
    %add3A_100 = arith.addf %add3A_98, %add3A_99 : vector<2048x256xf32>
    %dot_general3A_101 = arith.constant dense<0.000000e+00> : vector<2048x256xf32>
    %dot_general3A_102 = tpu.matmul %mul3A_89, %get3A_32, %dot_general3A_101 {dimension_numbers = #tpu.dot_dimension_numbers<[1], [0], [0], [1], [0, 0, 1, 1], [], []>, precision = #tpu.contract_precision<fp32>, transpose_lhs_hint = false} : vector<2048x64xf32>, vector<64x256xf32>, vector<2048x256xf32> -> vector<2048x256xf32>
    %add3A_103 = arith.addf %add3A_100, %dot_general3A_102 : vector<2048x256xf32>
    %slice3A_104 = vector.extract_strided_slice %add3A_103 {offsets = [0, 0], sizes = [2048, 64], strides = [1, 1]} : vector<2048x256xf32> to vector<2048x64xf32>
    %logistic3A_105 = arith.negf %slice3A_104 : vector<2048x64xf32>
    %logistic3A_106 = math.exp %logistic3A_105 : vector<2048x64xf32>
    %logistic3A_107 = arith.constant 1.000000e+00 : f32
    %logistic3A_108 = vector.broadcast %logistic3A_107 : f32 to vector<2048x64xf32>
    %logistic3A_109 = arith.addf %logistic3A_108, %logistic3A_106 : vector<2048x64xf32>
    %logistic3A_110 = arith.divf %logistic3A_108, %logistic3A_109 : vector<2048x64xf32>
    %slice3A_111 = vector.extract_strided_slice %add3A_103 {offsets = [0, 64], sizes = [2048, 64], strides = [1, 1]} : vector<2048x256xf32> to vector<2048x64xf32>
    %logistic3A_112 = arith.negf %slice3A_111 : vector<2048x64xf32>
    %logistic3A_113 = math.exp %logistic3A_112 : vector<2048x64xf32>
    %logistic3A_114 = arith.constant 1.000000e+00 : f32
    %logistic3A_115 = vector.broadcast %logistic3A_114 : f32 to vector<2048x64xf32>
    %logistic3A_116 = arith.addf %logistic3A_115, %logistic3A_113 : vector<2048x64xf32>
    %logistic3A_117 = arith.divf %logistic3A_115, %logistic3A_116 : vector<2048x64xf32>
    %slice3A_118 = vector.extract_strided_slice %add3A_103 {offsets = [0, 128], sizes = [2048, 64], strides = [1, 1]} : vector<2048x256xf32> to vector<2048x64xf32>
    %tanh3A_119 = math.tanh %slice3A_118 : vector<2048x64xf32>
    %slice3A_120 = vector.extract_strided_slice %add3A_103 {offsets = [0, 192], sizes = [2048, 64], strides = [1, 1]} : vector<2048x256xf32> to vector<2048x64xf32>
    %logistic3A_121 = arith.negf %slice3A_120 : vector<2048x64xf32>
    %logistic3A_122 = math.exp %logistic3A_121 : vector<2048x64xf32>
    %logistic3A_123 = arith.constant 1.000000e+00 : f32
    %logistic3A_124 = vector.broadcast %logistic3A_123 : f32 to vector<2048x64xf32>
    %logistic3A_125 = arith.addf %logistic3A_124, %logistic3A_122 : vector<2048x64xf32>
    %logistic3A_126 = arith.divf %logistic3A_124, %logistic3A_125 : vector<2048x64xf32>
    %mul3A_127 = arith.mulf %logistic3A_117, %add3A_87 : vector<2048x64xf32>
    %mul3A_128 = arith.mulf %logistic3A_110, %tanh3A_119 : vector<2048x64xf32>
    %add3A_129 = arith.addf %mul3A_127, %mul3A_128 : vector<2048x64xf32>
    %tanh3A_130 = math.tanh %add3A_129 : vector<2048x64xf32>
    %mul3A_131 = arith.mulf %logistic3A_126, %tanh3A_130 : vector<2048x64xf32>
    %slice3A_132 = vector.extract_strided_slice %mul3A_47 {offsets = [0, 2], sizes = [2048, 1], strides = [1, 1]} : vector<2048x16xf32> to vector<2048x1xf32>
    %mul3A_133 = vector.broadcast %slice3A_132 : vector<2048x1xf32> to vector<2048x256xf32>
    %mul3A_134 = vector.broadcast %dot_general3A_19 : vector<1x256xf32> to vector<2048x256xf32>
    %mul3A_135 = arith.mulf %mul3A_133, %mul3A_134 : vector<2048x256xf32>
    %slice3A_136 = vector.extract_strided_slice %mul3A_47 {offsets = [0, 10], sizes = [2048, 1], strides = [1, 1]} : vector<2048x16xf32> to vector<2048x1xf32>
    %mul3A_137 = vector.broadcast %slice3A_136 : vector<2048x1xf32> to vector<2048x256xf32>
    %mul3A_138 = vector.broadcast %dot_general3A_21 : vector<1x256xf32> to vector<2048x256xf32>
    %mul3A_139 = arith.mulf %mul3A_137, %mul3A_138 : vector<2048x256xf32>
    %add3A_140 = arith.addf %mul3A_135, %mul3A_139 : vector<2048x256xf32>
    %add3A_141 = vector.broadcast %add3A : vector<1x256xf32> to vector<2048x256xf32>
    %add3A_142 = arith.addf %add3A_140, %add3A_141 : vector<2048x256xf32>
    %dot_general3A_143 = arith.constant dense<0.000000e+00> : vector<2048x256xf32>
    %dot_general3A_144 = tpu.matmul %mul3A_131, %get3A_32, %dot_general3A_143 {dimension_numbers = #tpu.dot_dimension_numbers<[1], [0], [0], [1], [0, 0, 1, 1], [], []>, precision = #tpu.contract_precision<fp32>, transpose_lhs_hint = false} : vector<2048x64xf32>, vector<64x256xf32>, vector<2048x256xf32> -> vector<2048x256xf32>
    %add3A_145 = arith.addf %add3A_142, %dot_general3A_144 : vector<2048x256xf32>
    %slice3A_146 = vector.extract_strided_slice %add3A_145 {offsets = [0, 0], sizes = [2048, 64], strides = [1, 1]} : vector<2048x256xf32> to vector<2048x64xf32>
    %logistic3A_147 = arith.negf %slice3A_146 : vector<2048x64xf32>
    %logistic3A_148 = math.exp %logistic3A_147 : vector<2048x64xf32>
    %logistic3A_149 = arith.constant 1.000000e+00 : f32
    %logistic3A_150 = vector.broadcast %logistic3A_149 : f32 to vector<2048x64xf32>
    %logistic3A_151 = arith.addf %logistic3A_150, %logistic3A_148 : vector<2048x64xf32>
    %logistic3A_152 = arith.divf %logistic3A_150, %logistic3A_151 : vector<2048x64xf32>
    %slice3A_153 = vector.extract_strided_slice %add3A_145 {offsets = [0, 64], sizes = [2048, 64], strides = [1, 1]} : vector<2048x256xf32> to vector<2048x64xf32>
    %logistic3A_154 = arith.negf %slice3A_153 : vector<2048x64xf32>
    %logistic3A_155 = math.exp %logistic3A_154 : vector<2048x64xf32>
    %logistic3A_156 = arith.constant 1.000000e+00 : f32
    %logistic3A_157 = vector.broadcast %logistic3A_156 : f32 to vector<2048x64xf32>
    %logistic3A_158 = arith.addf %logistic3A_157, %logistic3A_155 : vector<2048x64xf32>
    %logistic3A_159 = arith.divf %logistic3A_157, %logistic3A_158 : vector<2048x64xf32>
    %slice3A_160 = vector.extract_strided_slice %add3A_145 {offsets = [0, 128], sizes = [2048, 64], strides = [1, 1]} : vector<2048x256xf32> to vector<2048x64xf32>
    %tanh3A_161 = math.tanh %slice3A_160 : vector<2048x64xf32>
    %slice3A_162 = vector.extract_strided_slice %add3A_145 {offsets = [0, 192], sizes = [2048, 64], strides = [1, 1]} : vector<2048x256xf32> to vector<2048x64xf32>
    %logistic3A_163 = arith.negf %slice3A_162 : vector<2048x64xf32>
    %logistic3A_164 = math.exp %logistic3A_163 : vector<2048x64xf32>
    %logistic3A_165 = arith.constant 1.000000e+00 : f32
    %logistic3A_166 = vector.broadcast %logistic3A_165 : f32 to vector<2048x64xf32>
    %logistic3A_167 = arith.addf %logistic3A_166, %logistic3A_164 : vector<2048x64xf32>
    %logistic3A_168 = arith.divf %logistic3A_166, %logistic3A_167 : vector<2048x64xf32>
    %mul3A_169 = arith.mulf %logistic3A_159, %add3A_129 : vector<2048x64xf32>
    %mul3A_170 = arith.mulf %logistic3A_152, %tanh3A_161 : vector<2048x64xf32>
    %add3A_171 = arith.addf %mul3A_169, %mul3A_170 : vector<2048x64xf32>
    %tanh3A_172 = math.tanh %add3A_171 : vector<2048x64xf32>
    %mul3A_173 = arith.mulf %logistic3A_168, %tanh3A_172 : vector<2048x64xf32>
    %slice3A_174 = vector.extract_strided_slice %mul3A_47 {offsets = [0, 3], sizes = [2048, 1], strides = [1, 1]} : vector<2048x16xf32> to vector<2048x1xf32>
    %mul3A_175 = vector.broadcast %slice3A_174 : vector<2048x1xf32> to vector<2048x256xf32>
    %mul3A_176 = vector.broadcast %dot_general3A_19 : vector<1x256xf32> to vector<2048x256xf32>
    %mul3A_177 = arith.mulf %mul3A_175, %mul3A_176 : vector<2048x256xf32>
    %slice3A_178 = vector.extract_strided_slice %mul3A_47 {offsets = [0, 11], sizes = [2048, 1], strides = [1, 1]} : vector<2048x16xf32> to vector<2048x1xf32>
    %mul3A_179 = vector.broadcast %slice3A_178 : vector<2048x1xf32> to vector<2048x256xf32>
    %mul3A_180 = vector.broadcast %dot_general3A_21 : vector<1x256xf32> to vector<2048x256xf32>
    %mul3A_181 = arith.mulf %mul3A_179, %mul3A_180 : vector<2048x256xf32>
    %add3A_182 = arith.addf %mul3A_177, %mul3A_181 : vector<2048x256xf32>
    %add3A_183 = vector.broadcast %add3A : vector<1x256xf32> to vector<2048x256xf32>
    %add3A_184 = arith.addf %add3A_182, %add3A_183 : vector<2048x256xf32>
    %dot_general3A_185 = arith.constant dense<0.000000e+00> : vector<2048x256xf32>
    %dot_general3A_186 = tpu.matmul %mul3A_173, %get3A_32, %dot_general3A_185 {dimension_numbers = #tpu.dot_dimension_numbers<[1], [0], [0], [1], [0, 0, 1, 1], [], []>, precision = #tpu.contract_precision<fp32>, transpose_lhs_hint = false} : vector<2048x64xf32>, vector<64x256xf32>, vector<2048x256xf32> -> vector<2048x256xf32>
    %add3A_187 = arith.addf %add3A_184, %dot_general3A_186 : vector<2048x256xf32>
    %slice3A_188 = vector.extract_strided_slice %add3A_187 {offsets = [0, 0], sizes = [2048, 64], strides = [1, 1]} : vector<2048x256xf32> to vector<2048x64xf32>
    %logistic3A_189 = arith.negf %slice3A_188 : vector<2048x64xf32>
    %logistic3A_190 = math.exp %logistic3A_189 : vector<2048x64xf32>
    %logistic3A_191 = arith.constant 1.000000e+00 : f32
    %logistic3A_192 = vector.broadcast %logistic3A_191 : f32 to vector<2048x64xf32>
    %logistic3A_193 = arith.addf %logistic3A_192, %logistic3A_190 : vector<2048x64xf32>
    %logistic3A_194 = arith.divf %logistic3A_192, %logistic3A_193 : vector<2048x64xf32>
    %slice3A_195 = vector.extract_strided_slice %add3A_187 {offsets = [0, 64], sizes = [2048, 64], strides = [1, 1]} : vector<2048x256xf32> to vector<2048x64xf32>
    %logistic3A_196 = arith.negf %slice3A_195 : vector<2048x64xf32>
    %logistic3A_197 = math.exp %logistic3A_196 : vector<2048x64xf32>
    %logistic3A_198 = arith.constant 1.000000e+00 : f32
    %logistic3A_199 = vector.broadcast %logistic3A_198 : f32 to vector<2048x64xf32>
    %logistic3A_200 = arith.addf %logistic3A_199, %logistic3A_197 : vector<2048x64xf32>
    %logistic3A_201 = arith.divf %logistic3A_199, %logistic3A_200 : vector<2048x64xf32>
    %slice3A_202 = vector.extract_strided_slice %add3A_187 {offsets = [0, 128], sizes = [2048, 64], strides = [1, 1]} : vector<2048x256xf32> to vector<2048x64xf32>
    %tanh3A_203 = math.tanh %slice3A_202 : vector<2048x64xf32>
    %slice3A_204 = vector.extract_strided_slice %add3A_187 {offsets = [0, 192], sizes = [2048, 64], strides = [1, 1]} : vector<2048x256xf32> to vector<2048x64xf32>
    %logistic3A_205 = arith.negf %slice3A_204 : vector<2048x64xf32>
    %logistic3A_206 = math.exp %logistic3A_205 : vector<2048x64xf32>
    %logistic3A_207 = arith.constant 1.000000e+00 : f32
    %logistic3A_208 = vector.broadcast %logistic3A_207 : f32 to vector<2048x64xf32>
    %logistic3A_209 = arith.addf %logistic3A_208, %logistic3A_206 : vector<2048x64xf32>
    %logistic3A_210 = arith.divf %logistic3A_208, %logistic3A_209 : vector<2048x64xf32>
    %mul3A_211 = arith.mulf %logistic3A_201, %add3A_171 : vector<2048x64xf32>
    %mul3A_212 = arith.mulf %logistic3A_194, %tanh3A_203 : vector<2048x64xf32>
    %add3A_213 = arith.addf %mul3A_211, %mul3A_212 : vector<2048x64xf32>
    %tanh3A_214 = math.tanh %add3A_213 : vector<2048x64xf32>
    %mul3A_215 = arith.mulf %logistic3A_210, %tanh3A_214 : vector<2048x64xf32>
    %slice3A_216 = vector.extract_strided_slice %mul3A_47 {offsets = [0, 4], sizes = [2048, 1], strides = [1, 1]} : vector<2048x16xf32> to vector<2048x1xf32>
    %mul3A_217 = vector.broadcast %slice3A_216 : vector<2048x1xf32> to vector<2048x256xf32>
    %mul3A_218 = vector.broadcast %dot_general3A_19 : vector<1x256xf32> to vector<2048x256xf32>
    %mul3A_219 = arith.mulf %mul3A_217, %mul3A_218 : vector<2048x256xf32>
    %slice3A_220 = vector.extract_strided_slice %mul3A_47 {offsets = [0, 12], sizes = [2048, 1], strides = [1, 1]} : vector<2048x16xf32> to vector<2048x1xf32>
    %mul3A_221 = vector.broadcast %slice3A_220 : vector<2048x1xf32> to vector<2048x256xf32>
    %mul3A_222 = vector.broadcast %dot_general3A_21 : vector<1x256xf32> to vector<2048x256xf32>
    %mul3A_223 = arith.mulf %mul3A_221, %mul3A_222 : vector<2048x256xf32>
    %add3A_224 = arith.addf %mul3A_219, %mul3A_223 : vector<2048x256xf32>
    %add3A_225 = vector.broadcast %add3A : vector<1x256xf32> to vector<2048x256xf32>
    %add3A_226 = arith.addf %add3A_224, %add3A_225 : vector<2048x256xf32>
    %dot_general3A_227 = arith.constant dense<0.000000e+00> : vector<2048x256xf32>
    %dot_general3A_228 = tpu.matmul %mul3A_215, %get3A_32, %dot_general3A_227 {dimension_numbers = #tpu.dot_dimension_numbers<[1], [0], [0], [1], [0, 0, 1, 1], [], []>, precision = #tpu.contract_precision<fp32>, transpose_lhs_hint = false} : vector<2048x64xf32>, vector<64x256xf32>, vector<2048x256xf32> -> vector<2048x256xf32>
    %add3A_229 = arith.addf %add3A_226, %dot_general3A_228 : vector<2048x256xf32>
    %slice3A_230 = vector.extract_strided_slice %add3A_229 {offsets = [0, 0], sizes = [2048, 64], strides = [1, 1]} : vector<2048x256xf32> to vector<2048x64xf32>
    %logistic3A_231 = arith.negf %slice3A_230 : vector<2048x64xf32>
    %logistic3A_232 = math.exp %logistic3A_231 : vector<2048x64xf32>
    %logistic3A_233 = arith.constant 1.000000e+00 : f32
    %logistic3A_234 = vector.broadcast %logistic3A_233 : f32 to vector<2048x64xf32>
    %logistic3A_235 = arith.addf %logistic3A_234, %logistic3A_232 : vector<2048x64xf32>
    %logistic3A_236 = arith.divf %logistic3A_234, %logistic3A_235 : vector<2048x64xf32>
    %slice3A_237 = vector.extract_strided_slice %add3A_229 {offsets = [0, 64], sizes = [2048, 64], strides = [1, 1]} : vector<2048x256xf32> to vector<2048x64xf32>
    %logistic3A_238 = arith.negf %slice3A_237 : vector<2048x64xf32>
    %logistic3A_239 = math.exp %logistic3A_238 : vector<2048x64xf32>
    %logistic3A_240 = arith.constant 1.000000e+00 : f32
    %logistic3A_241 = vector.broadcast %logistic3A_240 : f32 to vector<2048x64xf32>
    %logistic3A_242 = arith.addf %logistic3A_241, %logistic3A_239 : vector<2048x64xf32>
    %logistic3A_243 = arith.divf %logistic3A_241, %logistic3A_242 : vector<2048x64xf32>
    %slice3A_244 = vector.extract_strided_slice %add3A_229 {offsets = [0, 128], sizes = [2048, 64], strides = [1, 1]} : vector<2048x256xf32> to vector<2048x64xf32>
    %tanh3A_245 = math.tanh %slice3A_244 : vector<2048x64xf32>
    %slice3A_246 = vector.extract_strided_slice %add3A_229 {offsets = [0, 192], sizes = [2048, 64], strides = [1, 1]} : vector<2048x256xf32> to vector<2048x64xf32>
    %logistic3A_247 = arith.negf %slice3A_246 : vector<2048x64xf32>
    %logistic3A_248 = math.exp %logistic3A_247 : vector<2048x64xf32>
    %logistic3A_249 = arith.constant 1.000000e+00 : f32
    %logistic3A_250 = vector.broadcast %logistic3A_249 : f32 to vector<2048x64xf32>
    %logistic3A_251 = arith.addf %logistic3A_250, %logistic3A_248 : vector<2048x64xf32>
    %logistic3A_252 = arith.divf %logistic3A_250, %logistic3A_251 : vector<2048x64xf32>
    %mul3A_253 = arith.mulf %logistic3A_243, %add3A_213 : vector<2048x64xf32>
    %mul3A_254 = arith.mulf %logistic3A_236, %tanh3A_245 : vector<2048x64xf32>
    %add3A_255 = arith.addf %mul3A_253, %mul3A_254 : vector<2048x64xf32>
    %tanh3A_256 = math.tanh %add3A_255 : vector<2048x64xf32>
    %mul3A_257 = arith.mulf %logistic3A_252, %tanh3A_256 : vector<2048x64xf32>
    %slice3A_258 = vector.extract_strided_slice %mul3A_47 {offsets = [0, 5], sizes = [2048, 1], strides = [1, 1]} : vector<2048x16xf32> to vector<2048x1xf32>
    %mul3A_259 = vector.broadcast %slice3A_258 : vector<2048x1xf32> to vector<2048x256xf32>
    %mul3A_260 = vector.broadcast %dot_general3A_19 : vector<1x256xf32> to vector<2048x256xf32>
    %mul3A_261 = arith.mulf %mul3A_259, %mul3A_260 : vector<2048x256xf32>
    %slice3A_262 = vector.extract_strided_slice %mul3A_47 {offsets = [0, 13], sizes = [2048, 1], strides = [1, 1]} : vector<2048x16xf32> to vector<2048x1xf32>
    %mul3A_263 = vector.broadcast %slice3A_262 : vector<2048x1xf32> to vector<2048x256xf32>
    %mul3A_264 = vector.broadcast %dot_general3A_21 : vector<1x256xf32> to vector<2048x256xf32>
    %mul3A_265 = arith.mulf %mul3A_263, %mul3A_264 : vector<2048x256xf32>
    %add3A_266 = arith.addf %mul3A_261, %mul3A_265 : vector<2048x256xf32>
    %add3A_267 = vector.broadcast %add3A : vector<1x256xf32> to vector<2048x256xf32>
    %add3A_268 = arith.addf %add3A_266, %add3A_267 : vector<2048x256xf32>
    %dot_general3A_269 = arith.constant dense<0.000000e+00> : vector<2048x256xf32>
    %dot_general3A_270 = tpu.matmul %mul3A_257, %get3A_32, %dot_general3A_269 {dimension_numbers = #tpu.dot_dimension_numbers<[1], [0], [0], [1], [0, 0, 1, 1], [], []>, precision = #tpu.contract_precision<fp32>, transpose_lhs_hint = false} : vector<2048x64xf32>, vector<64x256xf32>, vector<2048x256xf32> -> vector<2048x256xf32>
    %add3A_271 = arith.addf %add3A_268, %dot_general3A_270 : vector<2048x256xf32>
    %slice3A_272 = vector.extract_strided_slice %add3A_271 {offsets = [0, 0], sizes = [2048, 64], strides = [1, 1]} : vector<2048x256xf32> to vector<2048x64xf32>
    %logistic3A_273 = arith.negf %slice3A_272 : vector<2048x64xf32>
    %logistic3A_274 = math.exp %logistic3A_273 : vector<2048x64xf32>
    %logistic3A_275 = arith.constant 1.000000e+00 : f32
    %logistic3A_276 = vector.broadcast %logistic3A_275 : f32 to vector<2048x64xf32>
    %logistic3A_277 = arith.addf %logistic3A_276, %logistic3A_274 : vector<2048x64xf32>
    %logistic3A_278 = arith.divf %logistic3A_276, %logistic3A_277 : vector<2048x64xf32>
    %slice3A_279 = vector.extract_strided_slice %add3A_271 {offsets = [0, 64], sizes = [2048, 64], strides = [1, 1]} : vector<2048x256xf32> to vector<2048x64xf32>
    %logistic3A_280 = arith.negf %slice3A_279 : vector<2048x64xf32>
    %logistic3A_281 = math.exp %logistic3A_280 : vector<2048x64xf32>
    %logistic3A_282 = arith.constant 1.000000e+00 : f32
    %logistic3A_283 = vector.broadcast %logistic3A_282 : f32 to vector<2048x64xf32>
    %logistic3A_284 = arith.addf %logistic3A_283, %logistic3A_281 : vector<2048x64xf32>
    %logistic3A_285 = arith.divf %logistic3A_283, %logistic3A_284 : vector<2048x64xf32>
    %slice3A_286 = vector.extract_strided_slice %add3A_271 {offsets = [0, 128], sizes = [2048, 64], strides = [1, 1]} : vector<2048x256xf32> to vector<2048x64xf32>
    %tanh3A_287 = math.tanh %slice3A_286 : vector<2048x64xf32>
    %slice3A_288 = vector.extract_strided_slice %add3A_271 {offsets = [0, 192], sizes = [2048, 64], strides = [1, 1]} : vector<2048x256xf32> to vector<2048x64xf32>
    %logistic3A_289 = arith.negf %slice3A_288 : vector<2048x64xf32>
    %logistic3A_290 = math.exp %logistic3A_289 : vector<2048x64xf32>
    %logistic3A_291 = arith.constant 1.000000e+00 : f32
    %logistic3A_292 = vector.broadcast %logistic3A_291 : f32 to vector<2048x64xf32>
    %logistic3A_293 = arith.addf %logistic3A_292, %logistic3A_290 : vector<2048x64xf32>
    %logistic3A_294 = arith.divf %logistic3A_292, %logistic3A_293 : vector<2048x64xf32>
    %mul3A_295 = arith.mulf %logistic3A_285, %add3A_255 : vector<2048x64xf32>
    %mul3A_296 = arith.mulf %logistic3A_278, %tanh3A_287 : vector<2048x64xf32>
    %add3A_297 = arith.addf %mul3A_295, %mul3A_296 : vector<2048x64xf32>
    %tanh3A_298 = math.tanh %add3A_297 : vector<2048x64xf32>
    %mul3A_299 = arith.mulf %logistic3A_294, %tanh3A_298 : vector<2048x64xf32>
    %slice3A_300 = vector.extract_strided_slice %mul3A_47 {offsets = [0, 6], sizes = [2048, 1], strides = [1, 1]} : vector<2048x16xf32> to vector<2048x1xf32>
    %mul3A_301 = vector.broadcast %slice3A_300 : vector<2048x1xf32> to vector<2048x256xf32>
    %mul3A_302 = vector.broadcast %dot_general3A_19 : vector<1x256xf32> to vector<2048x256xf32>
    %mul3A_303 = arith.mulf %mul3A_301, %mul3A_302 : vector<2048x256xf32>
    %slice3A_304 = vector.extract_strided_slice %mul3A_47 {offsets = [0, 14], sizes = [2048, 1], strides = [1, 1]} : vector<2048x16xf32> to vector<2048x1xf32>
    %mul3A_305 = vector.broadcast %slice3A_304 : vector<2048x1xf32> to vector<2048x256xf32>
    %mul3A_306 = vector.broadcast %dot_general3A_21 : vector<1x256xf32> to vector<2048x256xf32>
    %mul3A_307 = arith.mulf %mul3A_305, %mul3A_306 : vector<2048x256xf32>
    %add3A_308 = arith.addf %mul3A_303, %mul3A_307 : vector<2048x256xf32>
    %add3A_309 = vector.broadcast %add3A : vector<1x256xf32> to vector<2048x256xf32>
    %add3A_310 = arith.addf %add3A_308, %add3A_309 : vector<2048x256xf32>
    %dot_general3A_311 = arith.constant dense<0.000000e+00> : vector<2048x256xf32>
    %dot_general3A_312 = tpu.matmul %mul3A_299, %get3A_32, %dot_general3A_311 {dimension_numbers = #tpu.dot_dimension_numbers<[1], [0], [0], [1], [0, 0, 1, 1], [], []>, precision = #tpu.contract_precision<fp32>, transpose_lhs_hint = false} : vector<2048x64xf32>, vector<64x256xf32>, vector<2048x256xf32> -> vector<2048x256xf32>
    %add3A_313 = arith.addf %add3A_310, %dot_general3A_312 : vector<2048x256xf32>
    %slice3A_314 = vector.extract_strided_slice %add3A_313 {offsets = [0, 0], sizes = [2048, 64], strides = [1, 1]} : vector<2048x256xf32> to vector<2048x64xf32>
    %logistic3A_315 = arith.negf %slice3A_314 : vector<2048x64xf32>
    %logistic3A_316 = math.exp %logistic3A_315 : vector<2048x64xf32>
    %logistic3A_317 = arith.constant 1.000000e+00 : f32
    %logistic3A_318 = vector.broadcast %logistic3A_317 : f32 to vector<2048x64xf32>
    %logistic3A_319 = arith.addf %logistic3A_318, %logistic3A_316 : vector<2048x64xf32>
    %logistic3A_320 = arith.divf %logistic3A_318, %logistic3A_319 : vector<2048x64xf32>
    %slice3A_321 = vector.extract_strided_slice %add3A_313 {offsets = [0, 64], sizes = [2048, 64], strides = [1, 1]} : vector<2048x256xf32> to vector<2048x64xf32>
    %logistic3A_322 = arith.negf %slice3A_321 : vector<2048x64xf32>
    %logistic3A_323 = math.exp %logistic3A_322 : vector<2048x64xf32>
    %logistic3A_324 = arith.constant 1.000000e+00 : f32
    %logistic3A_325 = vector.broadcast %logistic3A_324 : f32 to vector<2048x64xf32>
    %logistic3A_326 = arith.addf %logistic3A_325, %logistic3A_323 : vector<2048x64xf32>
    %logistic3A_327 = arith.divf %logistic3A_325, %logistic3A_326 : vector<2048x64xf32>
    %slice3A_328 = vector.extract_strided_slice %add3A_313 {offsets = [0, 128], sizes = [2048, 64], strides = [1, 1]} : vector<2048x256xf32> to vector<2048x64xf32>
    %tanh3A_329 = math.tanh %slice3A_328 : vector<2048x64xf32>
    %slice3A_330 = vector.extract_strided_slice %add3A_313 {offsets = [0, 192], sizes = [2048, 64], strides = [1, 1]} : vector<2048x256xf32> to vector<2048x64xf32>
    %logistic3A_331 = arith.negf %slice3A_330 : vector<2048x64xf32>
    %logistic3A_332 = math.exp %logistic3A_331 : vector<2048x64xf32>
    %logistic3A_333 = arith.constant 1.000000e+00 : f32
    %logistic3A_334 = vector.broadcast %logistic3A_333 : f32 to vector<2048x64xf32>
    %logistic3A_335 = arith.addf %logistic3A_334, %logistic3A_332 : vector<2048x64xf32>
    %logistic3A_336 = arith.divf %logistic3A_334, %logistic3A_335 : vector<2048x64xf32>
    %mul3A_337 = arith.mulf %logistic3A_327, %add3A_297 : vector<2048x64xf32>
    %mul3A_338 = arith.mulf %logistic3A_320, %tanh3A_329 : vector<2048x64xf32>
    %add3A_339 = arith.addf %mul3A_337, %mul3A_338 : vector<2048x64xf32>
    %tanh3A_340 = math.tanh %add3A_339 : vector<2048x64xf32>
    %mul3A_341 = arith.mulf %logistic3A_336, %tanh3A_340 : vector<2048x64xf32>
    %slice3A_342 = vector.extract_strided_slice %mul3A_47 {offsets = [0, 7], sizes = [2048, 1], strides = [1, 1]} : vector<2048x16xf32> to vector<2048x1xf32>
    %mul3A_343 = vector.broadcast %slice3A_342 : vector<2048x1xf32> to vector<2048x256xf32>
    %mul3A_344 = vector.broadcast %dot_general3A_19 : vector<1x256xf32> to vector<2048x256xf32>
    %mul3A_345 = arith.mulf %mul3A_343, %mul3A_344 : vector<2048x256xf32>
    %slice3A_346 = vector.extract_strided_slice %mul3A_47 {offsets = [0, 15], sizes = [2048, 1], strides = [1, 1]} : vector<2048x16xf32> to vector<2048x1xf32>
    %mul3A_347 = vector.broadcast %slice3A_346 : vector<2048x1xf32> to vector<2048x256xf32>
    %mul3A_348 = vector.broadcast %dot_general3A_21 : vector<1x256xf32> to vector<2048x256xf32>
    %mul3A_349 = arith.mulf %mul3A_347, %mul3A_348 : vector<2048x256xf32>
    %add3A_350 = arith.addf %mul3A_345, %mul3A_349 : vector<2048x256xf32>
    %add3A_351 = vector.broadcast %add3A : vector<1x256xf32> to vector<2048x256xf32>
    %add3A_352 = arith.addf %add3A_350, %add3A_351 : vector<2048x256xf32>
    %dot_general3A_353 = arith.constant dense<0.000000e+00> : vector<2048x256xf32>
    %dot_general3A_354 = tpu.matmul %mul3A_341, %get3A_32, %dot_general3A_353 {dimension_numbers = #tpu.dot_dimension_numbers<[1], [0], [0], [1], [0, 0, 1, 1], [], []>, precision = #tpu.contract_precision<fp32>, transpose_lhs_hint = false} : vector<2048x64xf32>, vector<64x256xf32>, vector<2048x256xf32> -> vector<2048x256xf32>
    %add3A_355 = arith.addf %add3A_352, %dot_general3A_354 : vector<2048x256xf32>
    %slice3A_356 = vector.extract_strided_slice %add3A_355 {offsets = [0, 0], sizes = [2048, 64], strides = [1, 1]} : vector<2048x256xf32> to vector<2048x64xf32>
    %logistic3A_357 = arith.negf %slice3A_356 : vector<2048x64xf32>
    %logistic3A_358 = math.exp %logistic3A_357 : vector<2048x64xf32>
    %logistic3A_359 = arith.constant 1.000000e+00 : f32
    %logistic3A_360 = vector.broadcast %logistic3A_359 : f32 to vector<2048x64xf32>
    %logistic3A_361 = arith.addf %logistic3A_360, %logistic3A_358 : vector<2048x64xf32>
    %logistic3A_362 = arith.divf %logistic3A_360, %logistic3A_361 : vector<2048x64xf32>
    %slice3A_363 = vector.extract_strided_slice %add3A_355 {offsets = [0, 64], sizes = [2048, 64], strides = [1, 1]} : vector<2048x256xf32> to vector<2048x64xf32>
    %logistic3A_364 = arith.negf %slice3A_363 : vector<2048x64xf32>
    %logistic3A_365 = math.exp %logistic3A_364 : vector<2048x64xf32>
    %logistic3A_366 = arith.constant 1.000000e+00 : f32
    %logistic3A_367 = vector.broadcast %logistic3A_366 : f32 to vector<2048x64xf32>
    %logistic3A_368 = arith.addf %logistic3A_367, %logistic3A_365 : vector<2048x64xf32>
    %logistic3A_369 = arith.divf %logistic3A_367, %logistic3A_368 : vector<2048x64xf32>
    %slice3A_370 = vector.extract_strided_slice %add3A_355 {offsets = [0, 128], sizes = [2048, 64], strides = [1, 1]} : vector<2048x256xf32> to vector<2048x64xf32>
    %tanh3A_371 = math.tanh %slice3A_370 : vector<2048x64xf32>
    %slice3A_372 = vector.extract_strided_slice %add3A_355 {offsets = [0, 192], sizes = [2048, 64], strides = [1, 1]} : vector<2048x256xf32> to vector<2048x64xf32>
    %logistic3A_373 = arith.negf %slice3A_372 : vector<2048x64xf32>
    %logistic3A_374 = math.exp %logistic3A_373 : vector<2048x64xf32>
    %logistic3A_375 = arith.constant 1.000000e+00 : f32
    %logistic3A_376 = vector.broadcast %logistic3A_375 : f32 to vector<2048x64xf32>
    %logistic3A_377 = arith.addf %logistic3A_376, %logistic3A_374 : vector<2048x64xf32>
    %logistic3A_378 = arith.divf %logistic3A_376, %logistic3A_377 : vector<2048x64xf32>
    %mul3A_379 = arith.mulf %logistic3A_369, %add3A_339 : vector<2048x64xf32>
    %mul3A_380 = arith.mulf %logistic3A_362, %tanh3A_371 : vector<2048x64xf32>
    %add3A_381 = arith.addf %mul3A_379, %mul3A_380 : vector<2048x64xf32>
    %tanh3A_382 = math.tanh %add3A_381 : vector<2048x64xf32>
    %mul3A_383 = arith.mulf %logistic3A_378, %tanh3A_382 : vector<2048x64xf32>
    %get3A_384 = arith.constant 0 : index
    %get3A_385 = arith.constant 0 : index
    %get3A_386 = vector.load %arg11[%get3A_384, %get3A_385] : memref<64x1xf32, #tpu.memory_space<vmem>>, vector<64x1xf32>
    %dot_general3A_387 = arith.constant dense<0.000000e+00> : vector<2048x1xf32>
    %dot_general3A_388 = tpu.matmul %mul3A_383, %get3A_386, %dot_general3A_387 {dimension_numbers = #tpu.dot_dimension_numbers<[1], [0], [0], [1], [0, 0, 1, 1], [], []>, precision = #tpu.contract_precision<fp32>, transpose_lhs_hint = false} : vector<2048x64xf32>, vector<64x1xf32>, vector<2048x1xf32> -> vector<2048x1xf32>
    %get3A_389 = arith.constant 0 : index
    %get3A_390 = arith.constant 0 : index
    %get3A_391 = vector.load %arg12[%get3A_389, %get3A_390] : memref<1x1xf32, #tpu.memory_space<vmem>>, vector<1x1xf32>
    %add3A_392 = vector.broadcast %get3A_391 : vector<1x1xf32> to vector<2048x1xf32>
    %add3A_393 = arith.addf %dot_general3A_388, %add3A_392 : vector<2048x1xf32>
    %swap3A = arith.constant 0 : index
    %swap3A_394 = arith.constant 0 : index
    %swap3A_395 = vector.load %arg13[%swap3A, %swap3A_394] : memref<2048x1xf32, #tpu.memory_space<vmem>>, vector<2048x1xf32>
    tpu.vector_store %arg13[%swap3A, %swap3A_394], %add3A_393 {strides = array<i32>} : memref<2048x1xf32, #tpu.memory_space<vmem>>, vector<2048x1xf32>,
    return
  }
  func.func @transform_0(%arg0: i32) -> (i32, i32) {
    %c0_i32 = arith.constant 0 : i32
    %c0_i32_0 = arith.constant 0 : i32
    return %arg0, %c0_i32 : i32, i32
  }
  func.func @transform_1(%arg0: i32) -> (i32, i32) {
    %c0_i32 = arith.constant 0 : i32
    %c0_i32_0 = arith.constant 0 : i32
    return %arg0, %c0_i32 : i32, i32
  }
  func.func @transform_2(%arg0: i32) -> (i32, i32) {
    %c0_i32 = arith.constant 0 : i32
    %c0_i32_0 = arith.constant 0 : i32
    return %arg0, %c0_i32 : i32, i32
  }
  func.func @transform_3(%arg0: i32) -> (i32, i32) {
    %c0_i32 = arith.constant 0 : i32
    %c0_i32_0 = arith.constant 0 : i32
    return %arg0, %c0_i32 : i32, i32
  }
  func.func @transform_4(%arg0: i32) -> (i32, i32) {
    %c0_i32 = arith.constant 0 : i32
    %c0_i32_0 = arith.constant 0 : i32
    %c0_i32_1 = arith.constant 0 : i32
    return %c0_i32, %c0_i32_0 : i32, i32
  }
  func.func @transform_5(%arg0: i32) -> (i32, i32) {
    %c0_i32 = arith.constant 0 : i32
    %c0_i32_0 = arith.constant 0 : i32
    %c0_i32_1 = arith.constant 0 : i32
    return %c0_i32, %c0_i32_0 : i32, i32
  }
  func.func @transform_6(%arg0: i32) -> (i32, i32) {
    %c0_i32 = arith.constant 0 : i32
    %c0_i32_0 = arith.constant 0 : i32
    %c0_i32_1 = arith.constant 0 : i32
    return %c0_i32, %c0_i32_0 : i32, i32
  }
  func.func @transform_7(%arg0: i32) -> (i32, i32) {
    %c0_i32 = arith.constant 0 : i32
    %c0_i32_0 = arith.constant 0 : i32
    %c0_i32_1 = arith.constant 0 : i32
    return %c0_i32, %c0_i32_0 : i32, i32
  }
  func.func @transform_8(%arg0: i32) -> (i32, i32) {
    %c0_i32 = arith.constant 0 : i32
    %c0_i32_0 = arith.constant 0 : i32
    %c0_i32_1 = arith.constant 0 : i32
    return %c0_i32, %c0_i32_0 : i32, i32
  }
  func.func @transform_9(%arg0: i32) -> (i32, i32) {
    %c0_i32 = arith.constant 0 : i32
    %c0_i32_0 = arith.constant 0 : i32
    %c0_i32_1 = arith.constant 0 : i32
    return %c0_i32, %c0_i32_0 : i32, i32
  }
  func.func @transform_10(%arg0: i32) -> (i32, i32) {
    %c0_i32 = arith.constant 0 : i32
    %c0_i32_0 = arith.constant 0 : i32
    %c0_i32_1 = arith.constant 0 : i32
    return %c0_i32, %c0_i32_0 : i32, i32
  }
  func.func @transform_11(%arg0: i32) -> (i32, i32) {
    %c0_i32 = arith.constant 0 : i32
    %c0_i32_0 = arith.constant 0 : i32
    %c0_i32_1 = arith.constant 0 : i32
    return %c0_i32, %c0_i32_0 : i32, i32
  }
  func.func @transform_12(%arg0: i32) -> (i32, i32) {
    %c0_i32 = arith.constant 0 : i32
    %c0_i32_0 = arith.constant 0 : i32
    return %arg0, %c0_i32 : i32, i32
  }
}

</mosaic_0001>

<sc_bundles>
// kernel: kernel.11.cloned.1.call-start
scs
__scs_entry_jumppad:
0x0: {  	(pc) =	sbr.rel $0x88, $3  }
0x1: {  	(tag) =	ssettag $0x0;
	lr =	simm.s32 $0x1  }
0x2: {  	[smem:$0x3F96] =	sst lr;
	_ =	strace $0xD0000000  }
0x3: {  	_ = 	snop  }
0x4: {  	_ = 	snop  }
0x5: {  	_ = 	snop  }
0x6: {  	_ = 	snop  }
0x7: {  	_ = 	snop  }
__scs_overlays_trampoline_lowered:
0x8: {  	[smem:$0x3FA5] =	sst s0  }
0x9: {  	[smem:$0x3FA6] =	sst s1  }
0xa: {  	[smem:$0x3FA7] =	sst s2  }
0xb: {  	[smem:$0x3FA8] =	sst s3  }
0xc: {  	[smem:$0x3FA9] =	sst s4  }
0xd: {  	[smem:$0x3FAA] =	sst s5  }
0xe: {  	[smem:$0x3FAB] =	sst s6  }
0xf: {  	[smem:$0x3FAC] =	sst s7  }
0x10: {  	[smem:$0x3FAD] =	sst s8  }
0x11: {  	[smem:$0x3FAE] =	sst s9;
	s0 =	simm.s32 @!p0 $0x0  }
0x12: {  	s1 =	sld [smem:$0x3F94];
	s0 =	simm.s32 @p0 $0x1  }
0x13: {  	[smem:$0x3FAF] =	sst s0;
	s0 =	simm.s32 @!p1 $0x0  }
0x14: {  	s2 =	sld [smem:$0x3F93];
	s0 =	simm.s32 @p1 $0x1  }
0x15: {  	[smem:$0x3FB0] =	sst s0;
	s0 =	simm.s32 @!p2 $0x0  }
0x16: {  	s3 =	sld [smem:$0x3FDB];
	s0 =	simm.s32 @p2 $0x1  }
0x17: {  	s4 =	simm.s32 $0x1BF5;
	[smem:$0x3FB2] =	sst s0  }
0x18: {  	s0 =	sld [smem:$0x3F95];
	_ =	swait.ge [sflag:s4], $0x0  }
0x19: {  	s7 =	sld [smem:$0x3F96]  }
0x1a: {  	s8 =	sadd.s32 $0xFFFFE003, lr  }
0x1b: {  	s9 =	sadd.s32 $0xFFFFFEF7, lr;
	s5 =	simm.s32 $0xFFFFFFFF;
	p2 =	slt.u32 s8, $0xFFFFF086  }
0x1c: {  	p1 =	slt.u32 s9, $0xF7A;
	s5 =	simm.s32 @!p2 $0x0  }
0x1d: {  	s5 =	simm.s32 @p1 $0x1;
	p0 =	seq.s32 s7, s2  }
0x1e: {  	s7 =	smul.u32 @!p0 $0xF7A, s2;
	p2 =	seq.s32 @!p0 s5, $0x0  }
0x1f: {  	s9 =	smul.u32 $0xF7A, s1;
	s8 =	simm.s32 @!p0 $0x1BF5;
	p2 =	por !p2, p0  }
0x20: {  	[sflag:s8] =	ssyncset.s32 @!p0 $0xFFFFF086;
	s6 =	sadd.s32 @!p0 s3, s7;
	s7 =	simm.s32 @!p0 $0x108  }
0x21: {  	s3 =	sadd.s32 s3, s9;
	s6 =	sadd.s32 @!p0 $0x88, s6;
	s7 =	simm.s32 @p2 $0x1082  }
0x22: {  	[simem:s7], [sflag:s8] =	dma.local @!p0 [hbm:s6], $0xF7A  }
0x23: {  	s9 =	sor.u32 $0xD0000000, s2;
	s6 =	simm.s32 $0x108;
	_ =	swait.ge @!p0 [sflag:s8], $0x0  }
0x24: {  	s3 =	sadd.s32 $0x88, s3;
	s6 =	simm.s32 @!p1 $0x1082;
	[sflag:s4] =	ssyncset.s32 $0xFFFFF086  }
0x25: {  	[simem:s6], [sflag:s4] =	dma.local [hbm:s3], $0xF7A  }
0x26: {  	[smem:$0x3F96] =	sst s1;
	(tag) =	ssettag s2;
	_ =	strace s9  }
0x27: {  	s1 =	sld [smem:$0x3FA6]  }
0x28: {  	s2 =	sld [smem:$0x3FA7]  }
0x29: {  	s4 =	sld [smem:$0x3FA9]  }
0x2a: {  	p0 =	seq.s32 s5, $0x0;
	s5 =	sld [smem:$0x3FAA]  }
0x2b: {  	s6 =	sld [smem:$0x3FAB]  }
0x2c: {  	s7 =	sld [smem:$0x3FAC]  }
0x2d: {  	s3 =	simm.s32 $0x108;
	s8 =	sld [smem:$0x3FAD]  }
0x2e: {  	s3 =	simm.s32 @!p0 $0x1082;
	s9 =	sld [smem:$0x3FAE]  }
0x2f: {  	lr =	sadd.s32 s0, s3;
	s0 =	sld [smem:$0x3FA5]  }
0x30: {  	s3 =	sld [smem:$0x3FA8]  }
0x31: {  	[smem:$0x3FB1] =	sst s10  }
0x32: {  	s10 =	sld [smem:$0x3FAF];
	_ =	sdelay $0x3  }
0x33: {  	p0 =	seq.s32 s10, $0x1;
	s10 =	sld [smem:$0x3FB1];
	_ =	sdelay $0x3  }
0x34: {  	[smem:$0x3FB1] =	sst s10  }
0x35: {  	s10 =	sld [smem:$0x3FB0];
	_ =	sdelay $0x3  }
0x36: {  	p1 =	seq.s32 s10, $0x1;
	s10 =	sld [smem:$0x3FB1];
	_ =	sdelay $0x3  }
0x37: {  	[smem:$0x3FB1] =	sst s10  }
0x38: {  	s10 =	sld [smem:$0x3FB2]  }
0x39: {  	_ = 	snop;
	(pc) =	sbr.ind lr, $3  }
0x3a: {  	_ = 	snop  }
0x3b: {  	_ = 	snop  }
0x3c: {  	p2 =	seq.s32 s10, $0x1;
	s10 =	sld [smem:$0x3FB1]  }
0x3d: {  	_ =	shalt  }
0x3e: {  	_ =	shalt  }
0x3f: {  	_ =	shalt  }
0x40: {  	_ =	shalt  }
0x41: {  	_ =	shalt  }
0x42: {  	_ =	shalt  }
0x43: {  	_ =	shalt  }
0x44: {  	_ =	shalt  }
0x45: {  	_ =	shalt  }
0x46: {  	_ =	shalt  }
0x47: {  	_ =	shalt  }
0x48: {  	_ =	shalt  }
0x49: {  	_ =	shalt  }
0x4a: {  	_ =	shalt  }
0x4b: {  	_ =	shalt  }
0x4c: {  	_ =	shalt  }
0x4d: {  	_ =	shalt  }
0x4e: {  	_ =	shalt  }
0x4f: {  	_ =	shalt  }
0x50: {  	_ =	shalt  }
0x51: {  	_ =	shalt  }
0x52: {  	_ =	shalt  }
0x53: {  	_ =	shalt  }
0x54: {  	_ =	shalt  }
0x55: {  	_ =	shalt  }
0x56: {  	_ =	shalt  }
0x57: {  	_ =	shalt  }
0x58: {  	_ =	shalt  }
0x59: {  	_ =	shalt  }
0x5a: {  	_ =	shalt  }
0x5b: {  	_ =	shalt  }
0x5c: {  	_ =	shalt  }
0x5d: {  	_ =	shalt  }
0x5e: {  	_ =	shalt  }
0x5f: {  	_ =	shalt  }
0x60: {  	_ =	shalt  }
0x61: {  	_ =	shalt  }
0x62: {  	_ =	shalt  }
0x63: {  	_ =	shalt  }
0x64: {  	_ =	shalt  }
0x65: {  	_ =	shalt  }
0x66: {  	_ =	shalt  }
0x67: {  	_ =	shalt  }
0x68: {  	_ =	shalt  }
0x69: {  	_ =	shalt  }
0x6a: {  	_ =	shalt  }
0x6b: {  	_ =	shalt  }
0x6c: {  	_ =	shalt  }
0x6d: {  	_ =	shalt  }
0x6e: {  	_ =	shalt  }
0x6f: {  	_ =	shalt  }
0x70: {  	_ =	shalt  }
0x71: {  	_ =	shalt  }
0x72: {  	_ =	shalt  }
0x73: {  	_ =	shalt  }
0x74: {  	_ =	shalt  }
0x75: {  	_ =	shalt  }
0x76: {  	_ =	shalt  }
0x77: {  	_ =	shalt  }
0x78: {  	_ =	shalt  }
0x79: {  	_ =	shalt  }
0x7a: {  	_ =	shalt  }
0x7b: {  	_ =	shalt  }
0x7c: {  	_ =	shalt  }
0x7d: {  	_ =	shalt  }
0x7e: {  	_ =	shalt  }
0x7f: {  	_ =	shalt  }
0x80: {  	_ =	shalt  }
0x81: {  	_ =	shalt  }
0x82: {  	_ =	shalt  }
0x83: {  	_ =	shalt  }
0x84: {  	_ =	shalt  }
0x85: {  	_ =	shalt  }
0x86: {  	_ =	shalt  }
0x87: {  	_ =	shalt  }
.Lfunc_end0:
.L_simem_size_0:
called_computation.1_lowered:
.L_overlay_start_0:
0x88: {  	s2 =	sld [smem:$0x3FD9]  }
0x89: {  	s3 =	sld [smem:$0x3FFE];
	_ =	sdelay $0x1  }
0x8a: {  	s1 =	srdreg.scid  }
0x8b: {  	s0 =	sand.u32 $0x1, s1  }
0x8c: {  	s16 =	sshll.u32 s0, $0xA;
	s2 =	sadd.s32 s3, s2  }
0x8d: {  	s2 =	sadd.s32 s2, s16  }
0x8e: {  	[smem:$0x3FBD] =	sst s2  }
0x8f: {  	_ = 	snop  }
0x90: {  	(tm) =	ssettm $0x1  }
0x91: {  	s17 =	sld [smem:$0x3FFB];
	_ =	sdelay $0x3  }
0x92: {  	_ =	strace s17  }
0x93: {  	s2 =	sld [smem:$0x3FFC];
	_ =	sdelay $0x3  }
0x94: {  	_ =	strace s2  }
0x95: {  	s2 =	sld [smem:$0x3FFD];
	_ =	sdelay $0x3  }
0x96: {  	_ =	strace s2  }
0x97: {  	_ =	strace $0x8FFFFFFF  }
0x98: {  	s18 =	sld [smem:$0x3FDB];
	_ =	sdelay $0x1  }
0x99: {  	s19 =	simm.s32 $_scs_section_size  }
0x9a: {  	s4 =	simm.s32 $_size__tile_overlayer_lowered;
	s5 =	simm.s32 $_tile_overlayer_lowered  }
0x9b: {  	s22 =	simm.s32 $0x1BFF;
	s21 =	sshll.u32 s5, $0x1;
	s2 =	sadd.s32 s19, s18  }
0x9c: {  	s6 =	simm.s32 $0x0;
	s20 =	sshll.u32 s4, $0x1;
	s4 =	sadd.s32 s21, s2  }
0x9d: {  	[timem:s6], [sflag:s22] =	dma.local [hbm:s4], s20  }
0x9e: {  	_ =	swait.ge [sflag:s22], s20  }
0x9f: {  	s3 =	ssub.s32 $0x0, s20;
	[sflag:s22] =	ssyncset.done $0x0  }
0xa0: {  	[sflag:s22] =	ssyncadd.s32 s3;
	_ =	sdelay $0x1  }
0xa1: {  	s23 =	simm.s32 $0x1B8B  }
0xa2: {  	_ =	swait.ge [sflag:s23], $0x1  }
0xa3: {  	[sflag:s23] =	ssyncset.done $0x0  }
0xa4: {  	s25 =	simm.s32 $0x1B8E;
	s24 =	sld [smem:$0x3FFE];
	[sflag:s23] =	ssyncadd.s32 $0xFFFFFFFF  }
0xa5: {  	s26 =	simm.s32 $execute0_lowered;
	[smem:$0x3FD2] =	sst s25  }
0xa6: {  	s4 =	sshll.u32 s26, $0x1;
	_ =	strace $0x80000049;
	[dreg:$0x1] =	wrdreg $0xFFFFFFFF  }
0xa7: {  	s28 =	simm.s32 $_size_execute0_lowered;
	s2 =	sadd.s32 s2, s4;
	[dreg:$0x0] =	wrdreg $0x0  }
0xa8: {  	s4 =	sshll.u32 s28, $0x1;
	[dreg:$0x2] =	wrdreg s2  }
0xa9: {  	[dreg:$0x3] =	wrdreg s4  }
0xaa: {  	[dreg:$0x4] =	wrdreg $0xC0  }
0xab: {  	_ =	task [dreg:s6], $0x5FFFF  }
0xac: {  	[dreg:$0x1] =	wrdreg $0xFFFFFFFF  }
0xad: {  	[dreg:$0x0] =	wrdreg $0x60  }
0xae: {  	[dreg:$0x2] =	wrdreg s24  }
0xaf: {  	[dreg:$0x3] =	wrdreg $0x58000  }
0xb0: {  	[dreg:$0x4] =	wrdreg $0x9  }
0xb1: {  	_ =	task.clear_ibuf [dreg:s6], $0x5FFFF;
	_ =	strace $0x90000049  }
0xb2: {  	s29 =	simm.s32 $0x9;
	_ =	strace $0x8000004B  }
0xb3: {  	_ =	swait.ge [sflag:s29], $0x1  }
0xb4: {  	[sflag:s29] =	ssyncadd.s32 $0xFFFFFFFF  }
0xb5: {  	_ =	strace $0x9000004B  }
0xb6: {  	_ =	sfence  }
0xb7: {  	s30 =	sld [smem:$0x0];
	_ =	sdelay $0x2  }
0xb8: {  	s31 =	sshll.u32 s1, $0xD;
	s1 =	sshrl.u32 s1, $0x2  }
0xb9: {  	s3 =	sand.u32 $0x4000, s31;
	s1 =	sadd.s32 s1, s30  }
0xba: {  	s0 =	sor.u32 s3, s0;
	s1 =	sshll.u32 s1, $0x11  }
0xbb: {  	s0 =	sor.u32 s1, s0  }
0xbc: {  	s0 =	sadd.s32 $0x8F2B, s0  }
0xbd: {  	[sflag:s0] =	ssyncadd.remote.s32 $0x1  }
0xbe: {  	_ =	sfence.sel $0xFFFF  }
0xbf: {  	[dreg:$0x0] =	wrdreg $0xFFFFFFFF;
	(pc) =	sbr.abs _section_cstart, $3  }
0xc0: {  	[dreg:$0x1] =	wrdreg $0xFFFFFFFF  }
0xc1: {  	_ =	task.clear_ibuf [dreg:s6], $0x2FFFF;
	_ =	strace $0x9FFFFFFF  }
0xc2: {  	(tm) =	ssettm $0x7FFFFFFF  }
0xc3: {  	_ =	shalt  }
tec
execute0_lowered:
.L_overlay_start_1:
0x0: {  	(tag) =	ssettag $0x1  }
0x1: {  	s0 =	srdreg.scid;
	s6 =	rddreg [dreg:$0x0]  }
0x2: {  	s2 =	rddreg [dreg:$0x1];
	s3 =	simm.s32 $0x0;
	s14 =	simm.s32 $0x80  }
0x3: {  	s15 =	simm.s32 $0x5000;
	s16 =	simm.s32 $0x5400;
	s17 =	simm.s32 $0x1  }
0x4: {  	s18 =	simm.s32 $0x2;
	s5 =	sand.u32 $0x1, s0;
	s0 =	stileid.u32  }
0x5: {  	s19 =	simm.s32 $0x0;
	[smem:$0x7FF] =	sst s3;
	s7 =	smul.u32 $0x2800, s0  }
0x6: {  	s1 =	sshll.u32 s5, $0x4;
	s8 =	smul.u32 $0x28000, s5;
	s5 =	ssub.s32 $0x2, s5  }
0x7: {  	s31 =	sshll.u32 s0, $0x6;
	s1 =	sor.u32 s0, s1;
	s30 =	sshrl.u32 s5, $0x1  }
0x8: {  	s4 =	smul.u32 $0x500, s1;
	s1 =	rddreg [dreg:$0x2];
	_ =	strace $0x8000004A  }
0x9: {  	s8 =	sadd.s32 s7, s8;
	s10 =	sshrl.u32 s7, $0x3;
	s12 =	ssub.s32 s5, s30  }
0xa: {  	s13 =	sadd.s32 s7, s2;
	s8 =	sshrl.u32 s8, $0x3;
	s10 =	sadd.s32 s10, s6  }
0xb: {  	s9 =	sadd.s32 s4, s6;
	s4 =	sadd.s32 $0x60E00, s6;
	s11 =	sadd.s32 s8, s6  }
0xc: {  	s5 =	sadd.s32 $0xBE00, s10;
	s6 =	sor.u32 $0x1C03, s31;
	s10 =	smax.u32 s12, $0x1  }
0xd: {  	s12 =	simm.s32 $0x3;
	s7 =	sadd.s32 $0x6AE00, s9;
	s8 =	sadd.s32 $0x1E00, s9  }
0xe: {  	s9 =	sadd.s32 $0xC4E00, s11;
	s11 =	sshrl.u32 s13, $0x3;
	s13 =	simm.s32 $0x2800  }
.LBB2_1:
0xf: {  	[spmem:s11], [sflag:s6] =	dma.local [hbm:s5], $0x500  }
0x10: {  	_ =	swait.ge [sflag:s12], $0x500  }
0x11: {  	[sflag:s12] =	ssyncset.done $0x0  }
0x12: {  	[sflag:s12] =	ssyncadd.s32 $0xFFFFFB00  }
0x13: {  	[tilespmem:s3], [sflag:$0x3] =	stream.linear.gather [hbm4b:s7+s3], $0x2800, $0x38;
	[tilespmem:$0x8000] =	vst v63  }
0x14: {  	_ =	swait.ge [sflag:s12], $0x2800  }
0x15: {  	[sflag:s12] =	ssyncset.done $0x0  }
0x16: {  	[sflag:s12] =	ssyncadd.s32 $0xFFFFD800  }
0x17: {  	[tilespmem:s13], [sflag:$0x3] =	stream.linear.gather [hbm4b:s8+s3], $0x2800, $0x38;
	[tilespmem:$0x8000] =	vst v63  }
0x18: {  	_ =	swait.ge [sflag:s12], $0x2800  }
0x19: {  	[sflag:s12] =	ssyncset.done $0x0  }
0x1a: {  	[sflag:s12] =	ssyncadd.s32 $0xFFFFD800  }
0x1b: {  	s20 =	simm.s32 $0x0;
	[bflag:$0x0] =	sbarrier.arrive $0xFFFF  }
0x1c: {  	[tilespmem:s15], [sflag:$0x1] =	stream.indirect.gather [hbm4b:s4+s14], $0x8, s20, s14, $0xb8;
	[tilespmem:$0x8000] =	vst v63  }
0x1d: {  	s29 =	simm.s32 $0x80  }
0x1e: {  	[tilespmem:s16], [sflag:$0x2] =	stream.indirect.gather [hbm4b:s4+s14], $0x8, s29, s14, $0xb8;
	[tilespmem:$0x8000] =	vst v63  }
0x1f: {  	_ =	swait.ge [sflag:s17], $0x400  }
0x20: {  	[sflag:s17] =	ssyncset.done $0x0  }
0x21: {  	s30 =	simm.s32 $0x2800;
	[sflag:s17] =	ssyncadd.s32 $0xFFFFFC00  }
0x22: {  	[spmem:s2] =	stream.indirect.scatter.add.f32 [tilespmem:s15], [sflag:$0x3], $0x8, s30, s14, $0xb8;
	[tilespmem:$0x8000] =	vst v63  }
0x23: {  	_ =	swait.ge [sflag:s12], $0x400  }
0x24: {  	[sflag:s12] =	ssyncset.done $0x0  }
0x25: {  	[sflag:s12] =	ssyncadd.s32 $0xFFFFFC00  }
0x26: {  	_ =	swait.ge [sflag:s18], $0x400  }
0x27: {  	[sflag:s18] =	ssyncset.done $0x0  }
0x28: {  	s31 =	simm.s32 $0x2880;
	[sflag:s18] =	ssyncadd.s32 $0xFFFFFC00  }
0x29: {  	[spmem:s2] =	stream.indirect.scatter.add.f32 [tilespmem:s16], [sflag:$0x3], $0x8, s31, s14, $0xb8;
	[tilespmem:$0x8000] =	vst v63  }
0x2a: {  	_ =	swait.ge [sflag:s12], $0x400  }
0x2b: {  	s21 =	simm.s32 $0x800;
	s20 =	simm.s32 $0x400;
	[sflag:s12] =	ssyncset.done $0x0  }
.LBB2_2:
0x2c: {  	s22 =	sshra.s32 s20, $0x2  }
0x2d: {  	[sflag:s12] =	ssyncadd.s32 $0xFFFFFC00;
	s20 =	smov.u32 s21;
	s23 =	sadd.s32 $0x400, s21  }
0x2e: {  	[tilespmem:s15], [sflag:$0x1] =	stream.indirect.gather [hbm4b:s4+s14], $0x8, s22, s14, $0xb8;
	[tilespmem:$0x8000] =	vst v63  }
0x2f: {  	p0 =	sne.s32 s21, $0x9C00;
	s21 =	sadd.s32 $0x80, s22  }
0x30: {  	[tilespmem:s16], [sflag:$0x2] =	stream.indirect.gather [hbm4b:s4+s14], $0x8, s21, s14, $0xb8;
	[tilespmem:$0x8000] =	vst v63  }
0x31: {  	_ =	swait.ge [sflag:s17], $0x400  }
0x32: {  	[sflag:s17] =	ssyncset.done $0x0  }
0x33: {  	s21 =	sadd.s32 $0x2800, s22;
	[sflag:s17] =	ssyncadd.s32 $0xFFFFFC00  }
0x34: {  	[spmem:s2] =	stream.indirect.scatter.add.f32 [tilespmem:s15], [sflag:$0x3], $0x8, s21, s14, $0xb8;
	[tilespmem:$0x8000] =	vst v63  }
0x35: {  	_ =	swait.ge [sflag:s12], $0x400  }
0x36: {  	[sflag:s12] =	ssyncset.done $0x0  }
0x37: {  	[sflag:s12] =	ssyncadd.s32 $0xFFFFFC00  }
0x38: {  	_ =	swait.ge [sflag:s18], $0x400  }
.Ltmp0:
0x39: {  	[sflag:s18] =	ssyncset.done $0x0;
	(pc) =	sbr.rel @p0 .LBB2_2-.Ltmp0, $4  }
0x3a: {  	s21 =	sadd.s32 $0x2880, s22;
	[sflag:s18] =	ssyncadd.s32 $0xFFFFFC00  }
0x3b: {  	[spmem:s2] =	stream.indirect.scatter.add.f32 [tilespmem:s16], [sflag:$0x3], $0x8, s21, s14, $0xb8;
	[tilespmem:$0x8000] =	vst v63  }
0x3c: {  	_ =	swait.ge [sflag:s12], $0x400  }
0x3d: {  	s21 =	smov.u32 s23;
	[sflag:s12] =	ssyncset.done $0x0  }
0x3e: {  	s20 =	sshra.s32 s20, $0x2;
	[sflag:s12] =	ssyncadd.s32 $0xFFFFFC00  }
0x3f: {  	[tilespmem:s15], [sflag:$0x1] =	stream.indirect.gather [hbm4b:s4+s14], $0x8, s20, s14, $0xb8;
	[tilespmem:$0x8000] =	vst v63  }
0x40: {  	s21 =	sadd.s32 $0x80, s20  }
0x41: {  	[tilespmem:s16], [sflag:$0x2] =	stream.indirect.gather [hbm4b:s4+s14], $0x8, s21, s14, $0xb8;
	[tilespmem:$0x8000] =	vst v63  }
0x42: {  	_ =	swait.ge [sflag:s17], $0x400  }
0x43: {  	[sflag:s17] =	ssyncset.done $0x0  }
0x44: {  	s31 =	sadd.s32 $0x2800, s20;
	[sflag:s17] =	ssyncadd.s32 $0xFFFFFC00  }
0x45: {  	[spmem:s2] =	stream.indirect.scatter.add.f32 [tilespmem:s15], [sflag:$0x3], $0x8, s31, s14, $0xb8;
	[tilespmem:$0x8000] =	vst v63  }
0x46: {  	_ =	swait.ge [sflag:s12], $0x400  }
0x47: {  	[sflag:s12] =	ssyncset.done $0x0  }
0x48: {  	[sflag:s12] =	ssyncadd.s32 $0xFFFFFC00  }
0x49: {  	_ =	swait.ge [sflag:s18], $0x400  }
0x4a: {  	[sflag:s18] =	ssyncset.done $0x0  }
0x4b: {  	s20 =	sadd.s32 $0x2880, s20;
	[sflag:s18] =	ssyncadd.s32 $0xFFFFFC00  }
0x4c: {  	[spmem:s2] =	stream.indirect.scatter.add.f32 [tilespmem:s16], [sflag:$0x3], $0x8, s20, s14, $0xb8;
	[tilespmem:$0x8000] =	vst v63  }
0x4d: {  	_ =	swait.ge [sflag:s12], $0x400  }
0x4e: {  	s19 =	sadd.s32 $0x1, s19;
	[sflag:s12] =	ssyncset.done $0x0  }
0x4f: {  	p0 =	sne.s32 s19, s10;
	[sflag:s12] =	ssyncadd.s32 $0xFFFFFC00  }
.Ltmp1:
0x50: {  	[bflag:$0x0] =	sbarrier.arrive $0xFFFF;
	(pc) =	sbr.rel @p0 .LBB2_1-.Ltmp1, $4  }
0x51: {  	[hbm:s9], [sflag:s6] =	dma.local [spmem:s11], $0x500  }
0x52: {  	_ =	swait.ge [sflag:s12], $0x500  }
0x53: {  	[sflag:s12] =	ssyncset.done $0x0  }
0x54: {  	[sflag:s12] =	ssyncadd.s32 $0xFFFFFB00  }
0x55: {  	_ =	sfence.sel $0x180000  }
0x56: {  	[bflag:$0x0] =	sbarrier.arrive $0xFFFF  }
0x57: {  	p0 =	sne.s32 s0, $0x0;
	_ =	strace $0x9000004A  }
0x58: {  	s0 =	sadd.s32 @!p0 $0x100000, s1;
	[bflag:$0x2] =	sbarrier.arrive $0xFFFF  }
0x59: {  	[sflag:s0] =	ssyncadd.tile.s32 @!p0 $0x1;
	_ =	shalt  }
.Lfunc_end2:
_tile_overlayer_lowered:
.L_overlay_start_2:
0x5a: {  	(tag) =	ssettag $0x2  }
0x5b: {  	s0 =	rddreg [dreg:$0x0];
	s2 =	stileid.u32  }
0x5c: {  	s1 =	rddreg [dreg:$0x1];
	p0 =	sne.s32 s2, $0x0  }
0x5d: {  	s3 =	rddreg [dreg:$0x2];
	[bflag:$0x3] =	sbarrier.arrive $0xFFFF;
	s2 =	simm.s32 @!p0 $0x1C03  }
0x5e: {  	[timem:s3], [sflag:s2] =	dma.local @!p0 [hbm:s0], s1  }
0x5f: {  	s0 =	simm.s32 @!p0 $0x3  }
0x60: {  	_ =	swait.ge @!p0 [sflag:s0], s1  }
0x61: {  	s1 =	ssub.s32 @!p0 $0x0, s1;
	[sflag:s0] =	ssyncset.done @!p0 $0x0  }
0x62: {  	[sflag:s0] =	ssyncadd.s32 @!p0 s1  }
0x63: {  	[bflag:$0x3] =	sbarrier.arrive $0xFFFF  }
0x64: {  	_ =	shalt  }

// kernel: kernel.14.cloned.1.call-start
scs
__scs_entry_jumppad:
0x0: {  	(pc) =	sbr.rel $0x88, $3  }
0x1: {  	(tag) =	ssettag $0x0;
	lr =	simm.s32 $0x1  }
0x2: {  	[smem:$0x3F96] =	sst lr;
	_ =	strace $0xD0000000  }
0x3: {  	_ = 	snop  }
0x4: {  	_ = 	snop  }
0x5: {  	_ = 	snop  }
0x6: {  	_ = 	snop  }
0x7: {  	_ = 	snop  }
__scs_overlays_trampoline_lowered:
0x8: {  	[smem:$0x3FA5] =	sst s0  }
0x9: {  	[smem:$0x3FA6] =	sst s1  }
0xa: {  	[smem:$0x3FA7] =	sst s2  }
0xb: {  	[smem:$0x3FA8] =	sst s3  }
0xc: {  	[smem:$0x3FA9] =	sst s4  }
0xd: {  	[smem:$0x3FAA] =	sst s5  }
0xe: {  	[smem:$0x3FAB] =	sst s6  }
0xf: {  	[smem:$0x3FAC] =	sst s7  }
0x10: {  	[smem:$0x3FAD] =	sst s8  }
0x11: {  	[smem:$0x3FAE] =	sst s9;
	s0 =	simm.s32 @!p0 $0x0  }
0x12: {  	s1 =	sld [smem:$0x3F94];
	s0 =	simm.s32 @p0 $0x1  }
0x13: {  	[smem:$0x3FAF] =	sst s0;
	s0 =	simm.s32 @!p1 $0x0  }
0x14: {  	s2 =	sld [smem:$0x3F93];
	s0 =	simm.s32 @p1 $0x1  }
0x15: {  	[smem:$0x3FB0] =	sst s0;
	s0 =	simm.s32 @!p2 $0x0  }
0x16: {  	s3 =	sld [smem:$0x3FDB];
	s0 =	simm.s32 @p2 $0x1  }
0x17: {  	s4 =	simm.s32 $0x1BF5;
	[smem:$0x3FB2] =	sst s0  }
0x18: {  	s0 =	sld [smem:$0x3F95];
	_ =	swait.ge [sflag:s4], $0x0  }
0x19: {  	s7 =	sld [smem:$0x3F96]  }
0x1a: {  	s8 =	sadd.s32 $0xFFFFE003, lr  }
0x1b: {  	s9 =	sadd.s32 $0xFFFFFEF7, lr;
	s5 =	simm.s32 $0xFFFFFFFF;
	p2 =	slt.u32 s8, $0xFFFFF086  }
0x1c: {  	p1 =	slt.u32 s9, $0xF7A;
	s5 =	simm.s32 @!p2 $0x0  }
0x1d: {  	s5 =	simm.s32 @p1 $0x1;
	p0 =	seq.s32 s7, s2  }
0x1e: {  	s7 =	smul.u32 @!p0 $0xF7A, s2;
	p2 =	seq.s32 @!p0 s5, $0x0  }
0x1f: {  	s9 =	smul.u32 $0xF7A, s1;
	s8 =	simm.s32 @!p0 $0x1BF5;
	p2 =	por !p2, p0  }
0x20: {  	[sflag:s8] =	ssyncset.s32 @!p0 $0xFFFFF086;
	s6 =	sadd.s32 @!p0 s3, s7;
	s7 =	simm.s32 @!p0 $0x108  }
0x21: {  	s3 =	sadd.s32 s3, s9;
	s6 =	sadd.s32 @!p0 $0x88, s6;
	s7 =	simm.s32 @p2 $0x1082  }
0x22: {  	[simem:s7], [sflag:s8] =	dma.local @!p0 [hbm:s6], $0xF7A  }
0x23: {  	s9 =	sor.u32 $0xD0000000, s2;
	s6 =	simm.s32 $0x108;
	_ =	swait.ge @!p0 [sflag:s8], $0x0  }
0x24: {  	s3 =	sadd.s32 $0x88, s3;
	s6 =	simm.s32 @!p1 $0x1082;
	[sflag:s4] =	ssyncset.s32 $0xFFFFF086  }
0x25: {  	[simem:s6], [sflag:s4] =	dma.local [hbm:s3], $0xF7A  }
0x26: {  	[smem:$0x3F96] =	sst s1;
	(tag) =	ssettag s2;
	_ =	strace s9  }
0x27: {  	s1 =	sld [smem:$0x3FA6]  }
0x28: {  	s2 =	sld [smem:$0x3FA7]  }
0x29: {  	s4 =	sld [smem:$0x3FA9]  }
0x2a: {  	p0 =	seq.s32 s5, $0x0;
	s5 =	sld [smem:$0x3FAA]  }
0x2b: {  	s6 =	sld [smem:$0x3FAB]  }
0x2c: {  	s7 =	sld [smem:$0x3FAC]  }
0x2d: {  	s3 =	simm.s32 $0x108;
	s8 =	sld [smem:$0x3FAD]  }
0x2e: {  	s3 =	simm.s32 @!p0 $0x1082;
	s9 =	sld [smem:$0x3FAE]  }
0x2f: {  	lr =	sadd.s32 s0, s3;
	s0 =	sld [smem:$0x3FA5]  }
0x30: {  	s3 =	sld [smem:$0x3FA8]  }
0x31: {  	[smem:$0x3FB1] =	sst s10  }
0x32: {  	s10 =	sld [smem:$0x3FAF];
	_ =	sdelay $0x3  }
0x33: {  	p0 =	seq.s32 s10, $0x1;
	s10 =	sld [smem:$0x3FB1];
	_ =	sdelay $0x3  }
0x34: {  	[smem:$0x3FB1] =	sst s10  }
0x35: {  	s10 =	sld [smem:$0x3FB0];
	_ =	sdelay $0x3  }
0x36: {  	p1 =	seq.s32 s10, $0x1;
	s10 =	sld [smem:$0x3FB1];
	_ =	sdelay $0x3  }
0x37: {  	[smem:$0x3FB1] =	sst s10  }
0x38: {  	s10 =	sld [smem:$0x3FB2]  }
0x39: {  	_ = 	snop;
	(pc) =	sbr.ind lr, $3  }
0x3a: {  	_ = 	snop  }
0x3b: {  	_ = 	snop  }
0x3c: {  	p2 =	seq.s32 s10, $0x1;
	s10 =	sld [smem:$0x3FB1]  }
0x3d: {  	_ =	shalt  }
0x3e: {  	_ =	shalt  }
0x3f: {  	_ =	shalt  }
0x40: {  	_ =	shalt  }
0x41: {  	_ =	shalt  }
0x42: {  	_ =	shalt  }
0x43: {  	_ =	shalt  }
0x44: {  	_ =	shalt  }
0x45: {  	_ =	shalt  }
0x46: {  	_ =	shalt  }
0x47: {  	_ =	shalt  }
0x48: {  	_ =	shalt  }
0x49: {  	_ =	shalt  }
0x4a: {  	_ =	shalt  }
0x4b: {  	_ =	shalt  }
0x4c: {  	_ =	shalt  }
0x4d: {  	_ =	shalt  }
0x4e: {  	_ =	shalt  }
0x4f: {  	_ =	shalt  }
0x50: {  	_ =	shalt  }
0x51: {  	_ =	shalt  }
0x52: {  	_ =	shalt  }
0x53: {  	_ =	shalt  }
0x54: {  	_ =	shalt  }
0x55: {  	_ =	shalt  }
0x56: {  	_ =	shalt  }
0x57: {  	_ =	shalt  }
0x58: {  	_ =	shalt  }
0x59: {  	_ =	shalt  }
0x5a: {  	_ =	shalt  }
0x5b: {  	_ =	shalt  }
0x5c: {  	_ =	shalt  }
0x5d: {  	_ =	shalt  }
0x5e: {  	_ =	shalt  }
0x5f: {  	_ =	shalt  }
0x60: {  	_ =	shalt  }
0x61: {  	_ =	shalt  }
0x62: {  	_ =	shalt  }
0x63: {  	_ =	shalt  }
0x64: {  	_ =	shalt  }
0x65: {  	_ =	shalt  }
0x66: {  	_ =	shalt  }
0x67: {  	_ =	shalt  }
0x68: {  	_ =	shalt  }
0x69: {  	_ =	shalt  }
0x6a: {  	_ =	shalt  }
0x6b: {  	_ =	shalt  }
0x6c: {  	_ =	shalt  }
0x6d: {  	_ =	shalt  }
0x6e: {  	_ =	shalt  }
0x6f: {  	_ =	shalt  }
0x70: {  	_ =	shalt  }
0x71: {  	_ =	shalt  }
0x72: {  	_ =	shalt  }
0x73: {  	_ =	shalt  }
0x74: {  	_ =	shalt  }
0x75: {  	_ =	shalt  }
0x76: {  	_ =	shalt  }
0x77: {  	_ =	shalt  }
0x78: {  	_ =	shalt  }
0x79: {  	_ =	shalt  }
0x7a: {  	_ =	shalt  }
0x7b: {  	_ =	shalt  }
0x7c: {  	_ =	shalt  }
0x7d: {  	_ =	shalt  }
0x7e: {  	_ =	shalt  }
0x7f: {  	_ =	shalt  }
0x80: {  	_ =	shalt  }
0x81: {  	_ =	shalt  }
0x82: {  	_ =	shalt  }
0x83: {  	_ =	shalt  }
0x84: {  	_ =	shalt  }
0x85: {  	_ =	shalt  }
0x86: {  	_ =	shalt  }
0x87: {  	_ =	shalt  }
.Lfunc_end0:
.L_simem_size_0:
called_computation.2_lowered:
.L_overlay_start_0:
0x88: {  	s2 =	sld [smem:$0x3FD9]  }
0x89: {  	s3 =	sld [smem:$0x3FFE];
	_ =	sdelay $0x1  }
0x8a: {  	s1 =	srdreg.scid  }
0x8b: {  	s0 =	sand.u32 $0x1, s1  }
0x8c: {  	s16 =	sshll.u32 s0, $0xA;
	s2 =	sadd.s32 s3, s2  }
0x8d: {  	s2 =	sadd.s32 s2, s16  }
0x8e: {  	[smem:$0x3FBD] =	sst s2  }
0x8f: {  	_ = 	snop  }
0x90: {  	(tm) =	ssettm $0x1  }
0x91: {  	s17 =	sld [smem:$0x3FFB];
	_ =	sdelay $0x3  }
0x92: {  	_ =	strace s17  }
0x93: {  	s2 =	sld [smem:$0x3FFC];
	_ =	sdelay $0x3  }
0x94: {  	_ =	strace s2  }
0x95: {  	s2 =	sld [smem:$0x3FFD];
	_ =	sdelay $0x3  }
0x96: {  	_ =	strace s2  }
0x97: {  	_ =	strace $0x8FFFFFFF  }
0x98: {  	s18 =	sld [smem:$0x3FDB];
	_ =	sdelay $0x1  }
0x99: {  	s19 =	simm.s32 $_scs_section_size  }
0x9a: {  	s4 =	simm.s32 $_size__tile_overlayer_lowered;
	s5 =	simm.s32 $_tile_overlayer_lowered  }
0x9b: {  	s22 =	simm.s32 $0x1BFF;
	s21 =	sshll.u32 s5, $0x1;
	s2 =	sadd.s32 s19, s18  }
0x9c: {  	s6 =	simm.s32 $0x0;
	s20 =	sshll.u32 s4, $0x1;
	s4 =	sadd.s32 s21, s2  }
0x9d: {  	[timem:s6], [sflag:s22] =	dma.local [hbm:s4], s20  }
0x9e: {  	_ =	swait.ge [sflag:s22], s20  }
0x9f: {  	s3 =	ssub.s32 $0x0, s20;
	[sflag:s22] =	ssyncset.done $0x0  }
0xa0: {  	[sflag:s22] =	ssyncadd.s32 s3;
	_ =	sdelay $0x1  }
0xa1: {  	s23 =	simm.s32 $0x1B8B  }
0xa2: {  	_ =	swait.ge [sflag:s23], $0x1  }
0xa3: {  	[sflag:s23] =	ssyncset.done $0x0  }
0xa4: {  	s25 =	simm.s32 $0x1B8E;
	s24 =	sld [smem:$0x3FFE];
	[sflag:s23] =	ssyncadd.s32 $0xFFFFFFFF  }
0xa5: {  	s26 =	simm.s32 $execute0_lowered;
	[smem:$0x3FD2] =	sst s25  }
0xa6: {  	s4 =	sshll.u32 s26, $0x1;
	_ =	strace $0x8000004C;
	[dreg:$0x1] =	wrdreg $0xFFFFFFFF  }
0xa7: {  	s28 =	simm.s32 $_size_execute0_lowered;
	s2 =	sadd.s32 s2, s4;
	[dreg:$0x0] =	wrdreg $0x0  }
0xa8: {  	s4 =	sshll.u32 s28, $0x1;
	[dreg:$0x2] =	wrdreg s2  }
0xa9: {  	[dreg:$0x3] =	wrdreg s4  }
0xaa: {  	[dreg:$0x4] =	wrdreg $0xC0  }
0xab: {  	_ =	task [dreg:s6], $0x5FFFF  }
0xac: {  	[dreg:$0x1] =	wrdreg $0xFFFFFFFF  }
0xad: {  	[dreg:$0x0] =	wrdreg $0x60  }
0xae: {  	[dreg:$0x2] =	wrdreg s24  }
0xaf: {  	[dreg:$0x3] =	wrdreg $0x60000  }
0xb0: {  	[dreg:$0x4] =	wrdreg $0x9  }
0xb1: {  	_ =	task.clear_ibuf [dreg:s6], $0x5FFFF;
	_ =	strace $0x9000004C  }
0xb2: {  	s29 =	simm.s32 $0x9;
	_ =	strace $0x8000004E  }
0xb3: {  	_ =	swait.ge [sflag:s29], $0x1  }
0xb4: {  	[sflag:s29] =	ssyncadd.s32 $0xFFFFFFFF  }
0xb5: {  	_ =	strace $0x9000004E  }
0xb6: {  	_ =	sfence  }
0xb7: {  	s30 =	sld [smem:$0x0];
	_ =	sdelay $0x2  }
0xb8: {  	s31 =	sshll.u32 s1, $0xD;
	s1 =	sshrl.u32 s1, $0x2  }
0xb9: {  	s3 =	sand.u32 $0x4000, s31;
	s1 =	sadd.s32 s1, s30  }
0xba: {  	s0 =	sor.u32 s3, s0;
	s1 =	sshll.u32 s1, $0x11  }
0xbb: {  	s0 =	sor.u32 s1, s0  }
0xbc: {  	s0 =	sadd.s32 $0x8F2B, s0  }
0xbd: {  	[sflag:s0] =	ssyncadd.remote.s32 $0x1  }
0xbe: {  	_ =	sfence.sel $0xFFFF  }
0xbf: {  	[dreg:$0x0] =	wrdreg $0xFFFFFFFF;
	(pc) =	sbr.abs _section_cstart, $3  }
0xc0: {  	[dreg:$0x1] =	wrdreg $0xFFFFFFFF  }
0xc1: {  	_ =	task.clear_ibuf [dreg:s6], $0x2FFFF;
	_ =	strace $0x9FFFFFFF  }
0xc2: {  	(tm) =	ssettm $0x7FFFFFFF  }
0xc3: {  	_ =	shalt  }
tec
execute0_lowered:
.L_overlay_start_1:
0x0: {  	(tag) =	ssettag $0x1  }
0x1: {  	s0 =	srdreg.scid;
	s6 =	rddreg [dreg:$0x0]  }
0x2: {  	s2 =	rddreg [dreg:$0x1];
	s3 =	simm.s32 $0x0;
	s14 =	simm.s32 $0x80  }
0x3: {  	s15 =	simm.s32 $0x5000;
	s16 =	simm.s32 $0x5800;
	s17 =	simm.s32 $0x1  }
0x4: {  	s18 =	simm.s32 $0x2;
	s5 =	sand.u32 $0x1, s0;
	s0 =	stileid.u32  }
0x5: {  	s19 =	simm.s32 $0x0;
	[smem:$0x7FF] =	sst s3;
	s7 =	smul.u32 $0x5000, s0  }
0x6: {  	s1 =	sshll.u32 s5, $0x4;
	s8 =	smul.u32 $0x50000, s5;
	s5 =	ssub.s32 $0x2, s5  }
0x7: {  	s31 =	sshll.u32 s0, $0x6;
	s1 =	sor.u32 s0, s1;
	s30 =	sshrl.u32 s5, $0x1  }
0x8: {  	s4 =	smul.u32 $0x500, s1;
	s1 =	rddreg [dreg:$0x2];
	_ =	strace $0x8000004D  }
0x9: {  	s8 =	sadd.s32 s7, s8;
	s10 =	sshrl.u32 s7, $0x3;
	s12 =	ssub.s32 s5, s30  }
0xa: {  	s13 =	sadd.s32 s7, s2;
	s8 =	sshrl.u32 s8, $0x3;
	s10 =	sadd.s32 s10, s6  }
0xb: {  	s9 =	sadd.s32 s4, s6;
	s4 =	sadd.s32 $0x5BE00, s6;
	s11 =	sadd.s32 s8, s6  }
0xc: {  	s5 =	sadd.s32 $0xC4E00, s10;
	s6 =	sor.u32 $0x1C03, s31;
	s10 =	smax.u32 s12, $0x1  }
0xd: {  	s12 =	simm.s32 $0x3;
	s7 =	sadd.s32 $0x6AE00, s9;
	s8 =	sadd.s32 $0x1E00, s9  }
0xe: {  	s9 =	sadd.s32 $0xCEE00, s11;
	s11 =	sshrl.u32 s13, $0x3;
	s13 =	simm.s32 $0x2800  }
.LBB2_1:
0xf: {  	[spmem:s11], [sflag:s6] =	dma.local [hbm:s5], $0xA00  }
0x10: {  	_ =	swait.ge [sflag:s12], $0xA00  }
0x11: {  	[sflag:s12] =	ssyncset.done $0x0  }
0x12: {  	[sflag:s12] =	ssyncadd.s32 $0xFFFFF600  }
0x13: {  	[tilespmem:s3], [sflag:$0x3] =	stream.linear.gather [hbm4b:s7+s3], $0x2800, $0x38;
	[tilespmem:$0xB000] =	vst v63  }
0x14: {  	_ =	swait.ge [sflag:s12], $0x2800  }
0x15: {  	[sflag:s12] =	ssyncset.done $0x0  }
0x16: {  	[sflag:s12] =	ssyncadd.s32 $0xFFFFD800  }
0x17: {  	[tilespmem:s13], [sflag:$0x3] =	stream.linear.gather [hbm4b:s8+s3], $0x2800, $0x38;
	[tilespmem:$0xB000] =	vst v63  }
0x18: {  	_ =	swait.ge [sflag:s12], $0x2800  }
0x19: {  	[sflag:s12] =	ssyncset.done $0x0  }
0x1a: {  	[sflag:s12] =	ssyncadd.s32 $0xFFFFD800  }
0x1b: {  	s20 =	simm.s32 $0x0;
	[bflag:$0x0] =	sbarrier.arrive $0xFFFF  }
0x1c: {  	[tilespmem:s15], [sflag:$0x1] =	stream.indirect.gather [hbm4b:s4+s14], $0x10, s20, s14, $0xb8;
	[tilespmem:$0xB000] =	vst v63  }
0x1d: {  	s29 =	simm.s32 $0x80  }
0x1e: {  	[tilespmem:s16], [sflag:$0x2] =	stream.indirect.gather [hbm4b:s4+s14], $0x10, s29, s14, $0xb8;
	[tilespmem:$0xB000] =	vst v63  }
0x1f: {  	_ =	swait.ge [sflag:s17], $0x800  }
0x20: {  	[sflag:s17] =	ssyncset.done $0x0  }
0x21: {  	s30 =	simm.s32 $0x2800;
	[sflag:s17] =	ssyncadd.s32 $0xFFFFF800  }
0x22: {  	[spmem:s2] =	stream.indirect.scatter.add.f32 [tilespmem:s15], [sflag:$0x3], $0x10, s30, s14, $0xb8;
	[tilespmem:$0xB000] =	vst v63  }
0x23: {  	_ =	swait.ge [sflag:s12], $0x800  }
0x24: {  	[sflag:s12] =	ssyncset.done $0x0  }
0x25: {  	[sflag:s12] =	ssyncadd.s32 $0xFFFFF800  }
0x26: {  	_ =	swait.ge [sflag:s18], $0x800  }
0x27: {  	[sflag:s18] =	ssyncset.done $0x0  }
0x28: {  	s31 =	simm.s32 $0x2880;
	[sflag:s18] =	ssyncadd.s32 $0xFFFFF800  }
0x29: {  	[spmem:s2] =	stream.indirect.scatter.add.f32 [tilespmem:s16], [sflag:$0x3], $0x10, s31, s14, $0xb8;
	[tilespmem:$0xB000] =	vst v63  }
0x2a: {  	_ =	swait.ge [sflag:s12], $0x800  }
0x2b: {  	s21 =	simm.s32 $0x800;
	s20 =	simm.s32 $0x400;
	[sflag:s12] =	ssyncset.done $0x0  }
.LBB2_2:
0x2c: {  	s22 =	sshra.s32 s20, $0x2  }
0x2d: {  	[sflag:s12] =	ssyncadd.s32 $0xFFFFF800;
	s20 =	smov.u32 s21;
	s23 =	sadd.s32 $0x400, s21  }
0x2e: {  	[tilespmem:s15], [sflag:$0x1] =	stream.indirect.gather [hbm4b:s4+s14], $0x10, s22, s14, $0xb8;
	[tilespmem:$0xB000] =	vst v63  }
0x2f: {  	p0 =	sne.s32 s21, $0x9C00;
	s21 =	sadd.s32 $0x80, s22  }
0x30: {  	[tilespmem:s16], [sflag:$0x2] =	stream.indirect.gather [hbm4b:s4+s14], $0x10, s21, s14, $0xb8;
	[tilespmem:$0xB000] =	vst v63  }
0x31: {  	_ =	swait.ge [sflag:s17], $0x800  }
0x32: {  	[sflag:s17] =	ssyncset.done $0x0  }
0x33: {  	s21 =	sadd.s32 $0x2800, s22;
	[sflag:s17] =	ssyncadd.s32 $0xFFFFF800  }
0x34: {  	[spmem:s2] =	stream.indirect.scatter.add.f32 [tilespmem:s15], [sflag:$0x3], $0x10, s21, s14, $0xb8;
	[tilespmem:$0xB000] =	vst v63  }
0x35: {  	_ =	swait.ge [sflag:s12], $0x800  }
0x36: {  	[sflag:s12] =	ssyncset.done $0x0  }
0x37: {  	[sflag:s12] =	ssyncadd.s32 $0xFFFFF800  }
0x38: {  	_ =	swait.ge [sflag:s18], $0x800  }
.Ltmp0:
0x39: {  	[sflag:s18] =	ssyncset.done $0x0;
	(pc) =	sbr.rel @p0 .LBB2_2-.Ltmp0, $4  }
0x3a: {  	s21 =	sadd.s32 $0x2880, s22;
	[sflag:s18] =	ssyncadd.s32 $0xFFFFF800  }
0x3b: {  	[spmem:s2] =	stream.indirect.scatter.add.f32 [tilespmem:s16], [sflag:$0x3], $0x10, s21, s14, $0xb8;
	[tilespmem:$0xB000] =	vst v63  }
0x3c: {  	_ =	swait.ge [sflag:s12], $0x800  }
0x3d: {  	s21 =	smov.u32 s23;
	[sflag:s12] =	ssyncset.done $0x0  }
0x3e: {  	s20 =	sshra.s32 s20, $0x2;
	[sflag:s12] =	ssyncadd.s32 $0xFFFFF800  }
0x3f: {  	[tilespmem:s15], [sflag:$0x1] =	stream.indirect.gather [hbm4b:s4+s14], $0x10, s20, s14, $0xb8;
	[tilespmem:$0xB000] =	vst v63  }
0x40: {  	s21 =	sadd.s32 $0x80, s20  }
0x41: {  	[tilespmem:s16], [sflag:$0x2] =	stream.indirect.gather [hbm4b:s4+s14], $0x10, s21, s14, $0xb8;
	[tilespmem:$0xB000] =	vst v63  }
0x42: {  	_ =	swait.ge [sflag:s17], $0x800  }
0x43: {  	[sflag:s17] =	ssyncset.done $0x0  }
0x44: {  	s31 =	sadd.s32 $0x2800, s20;
	[sflag:s17] =	ssyncadd.s32 $0xFFFFF800  }
0x45: {  	[spmem:s2] =	stream.indirect.scatter.add.f32 [tilespmem:s15], [sflag:$0x3], $0x10, s31, s14, $0xb8;
	[tilespmem:$0xB000] =	vst v63  }
0x46: {  	_ =	swait.ge [sflag:s12], $0x800  }
0x47: {  	[sflag:s12] =	ssyncset.done $0x0  }
0x48: {  	[sflag:s12] =	ssyncadd.s32 $0xFFFFF800  }
0x49: {  	_ =	swait.ge [sflag:s18], $0x800  }
0x4a: {  	[sflag:s18] =	ssyncset.done $0x0  }
0x4b: {  	s20 =	sadd.s32 $0x2880, s20;
	[sflag:s18] =	ssyncadd.s32 $0xFFFFF800  }
0x4c: {  	[spmem:s2] =	stream.indirect.scatter.add.f32 [tilespmem:s16], [sflag:$0x3], $0x10, s20, s14, $0xb8;
	[tilespmem:$0xB000] =	vst v63  }
0x4d: {  	_ =	swait.ge [sflag:s12], $0x800  }
0x4e: {  	s19 =	sadd.s32 $0x1, s19;
	[sflag:s12] =	ssyncset.done $0x0  }
0x4f: {  	p0 =	sne.s32 s19, s10;
	[sflag:s12] =	ssyncadd.s32 $0xFFFFF800  }
.Ltmp1:
0x50: {  	[bflag:$0x0] =	sbarrier.arrive $0xFFFF;
	(pc) =	sbr.rel @p0 .LBB2_1-.Ltmp1, $4  }
0x51: {  	[hbm:s9], [sflag:s6] =	dma.local [spmem:s11], $0xA00  }
0x52: {  	_ =	swait.ge [sflag:s12], $0xA00  }
0x53: {  	[sflag:s12] =	ssyncset.done $0x0  }
0x54: {  	[sflag:s12] =	ssyncadd.s32 $0xFFFFF600  }
0x55: {  	_ =	sfence.sel $0x180000  }
0x56: {  	[bflag:$0x0] =	sbarrier.arrive $0xFFFF  }
0x57: {  	p0 =	sne.s32 s0, $0x0;
	_ =	strace $0x9000004D  }
0x58: {  	s0 =	sadd.s32 @!p0 $0x100000, s1;
	[bflag:$0x2] =	sbarrier.arrive $0xFFFF  }
0x59: {  	[sflag:s0] =	ssyncadd.tile.s32 @!p0 $0x1;
	_ =	shalt  }
.Lfunc_end2:
_tile_overlayer_lowered:
.L_overlay_start_2:
0x5a: {  	(tag) =	ssettag $0x2  }
0x5b: {  	s0 =	rddreg [dreg:$0x0];
	s2 =	stileid.u32  }
0x5c: {  	s1 =	rddreg [dreg:$0x1];
	p0 =	sne.s32 s2, $0x0  }
0x5d: {  	s3 =	rddreg [dreg:$0x2];
	[bflag:$0x3] =	sbarrier.arrive $0xFFFF;
	s2 =	simm.s32 @!p0 $0x1C03  }
0x5e: {  	[timem:s3], [sflag:s2] =	dma.local @!p0 [hbm:s0], s1  }
0x5f: {  	s0 =	simm.s32 @!p0 $0x3  }
0x60: {  	_ =	swait.ge @!p0 [sflag:s0], s1  }
0x61: {  	s1 =	ssub.s32 @!p0 $0x0, s1;
	[sflag:s0] =	ssyncset.done @!p0 $0x0  }
0x62: {  	[sflag:s0] =	ssyncadd.s32 @!p0 s1  }
0x63: {  	[bflag:$0x3] =	sbarrier.arrive $0xFFFF  }
0x64: {  	_ =	shalt  }

// kernel: kernel.8.cloned.1.call-start
scs
__scs_entry_jumppad:
0x0: {  	(pc) =	sbr.rel $0x88, $3  }
0x1: {  	(tag) =	ssettag $0x0;
	lr =	simm.s32 $0x1  }
0x2: {  	[smem:$0x3F96] =	sst lr;
	_ =	strace $0xD0000000  }
0x3: {  	_ = 	snop  }
0x4: {  	_ = 	snop  }
0x5: {  	_ = 	snop  }
0x6: {  	_ = 	snop  }
0x7: {  	_ = 	snop  }
__scs_overlays_trampoline_lowered:
0x8: {  	[smem:$0x3FA5] =	sst s0  }
0x9: {  	[smem:$0x3FA6] =	sst s1  }
0xa: {  	[smem:$0x3FA7] =	sst s2  }
0xb: {  	[smem:$0x3FA8] =	sst s3  }
0xc: {  	[smem:$0x3FA9] =	sst s4  }
0xd: {  	[smem:$0x3FAA] =	sst s5  }
0xe: {  	[smem:$0x3FAB] =	sst s6  }
0xf: {  	[smem:$0x3FAC] =	sst s7  }
0x10: {  	[smem:$0x3FAD] =	sst s8  }
0x11: {  	[smem:$0x3FAE] =	sst s9;
	s0 =	simm.s32 @!p0 $0x0  }
0x12: {  	s1 =	sld [smem:$0x3F94];
	s0 =	simm.s32 @p0 $0x1  }
0x13: {  	[smem:$0x3FAF] =	sst s0;
	s0 =	simm.s32 @!p1 $0x0  }
0x14: {  	s2 =	sld [smem:$0x3F93];
	s0 =	simm.s32 @p1 $0x1  }
0x15: {  	[smem:$0x3FB0] =	sst s0;
	s0 =	simm.s32 @!p2 $0x0  }
0x16: {  	s3 =	sld [smem:$0x3FDB];
	s0 =	simm.s32 @p2 $0x1  }
0x17: {  	s4 =	simm.s32 $0x1BF5;
	[smem:$0x3FB2] =	sst s0  }
0x18: {  	s0 =	sld [smem:$0x3F95];
	_ =	swait.ge [sflag:s4], $0x0  }
0x19: {  	s7 =	sld [smem:$0x3F96]  }
0x1a: {  	s8 =	sadd.s32 $0xFFFFE003, lr  }
0x1b: {  	s9 =	sadd.s32 $0xFFFFFEF7, lr;
	s5 =	simm.s32 $0xFFFFFFFF;
	p2 =	slt.u32 s8, $0xFFFFF086  }
0x1c: {  	p1 =	slt.u32 s9, $0xF7A;
	s5 =	simm.s32 @!p2 $0x0  }
0x1d: {  	s5 =	simm.s32 @p1 $0x1;
	p0 =	seq.s32 s7, s2  }
0x1e: {  	s7 =	smul.u32 @!p0 $0xF7A, s2;
	p2 =	seq.s32 @!p0 s5, $0x0  }
0x1f: {  	s9 =	smul.u32 $0xF7A, s1;
	s8 =	simm.s32 @!p0 $0x1BF5;
	p2 =	por !p2, p0  }
0x20: {  	[sflag:s8] =	ssyncset.s32 @!p0 $0xFFFFF086;
	s6 =	sadd.s32 @!p0 s3, s7;
	s7 =	simm.s32 @!p0 $0x108  }
0x21: {  	s3 =	sadd.s32 s3, s9;
	s6 =	sadd.s32 @!p0 $0x88, s6;
	s7 =	simm.s32 @p2 $0x1082  }
0x22: {  	[simem:s7], [sflag:s8] =	dma.local @!p0 [hbm:s6], $0xF7A  }
0x23: {  	s9 =	sor.u32 $0xD0000000, s2;
	s6 =	simm.s32 $0x108;
	_ =	swait.ge @!p0 [sflag:s8], $0x0  }
0x24: {  	s3 =	sadd.s32 $0x88, s3;
	s6 =	simm.s32 @!p1 $0x1082;
	[sflag:s4] =	ssyncset.s32 $0xFFFFF086  }
0x25: {  	[simem:s6], [sflag:s4] =	dma.local [hbm:s3], $0xF7A  }
0x26: {  	[smem:$0x3F96] =	sst s1;
	(tag) =	ssettag s2;
	_ =	strace s9  }
0x27: {  	s1 =	sld [smem:$0x3FA6]  }
0x28: {  	s2 =	sld [smem:$0x3FA7]  }
0x29: {  	s4 =	sld [smem:$0x3FA9]  }
0x2a: {  	p0 =	seq.s32 s5, $0x0;
	s5 =	sld [smem:$0x3FAA]  }
0x2b: {  	s6 =	sld [smem:$0x3FAB]  }
0x2c: {  	s7 =	sld [smem:$0x3FAC]  }
0x2d: {  	s3 =	simm.s32 $0x108;
	s8 =	sld [smem:$0x3FAD]  }
0x2e: {  	s3 =	simm.s32 @!p0 $0x1082;
	s9 =	sld [smem:$0x3FAE]  }
0x2f: {  	lr =	sadd.s32 s0, s3;
	s0 =	sld [smem:$0x3FA5]  }
0x30: {  	s3 =	sld [smem:$0x3FA8]  }
0x31: {  	[smem:$0x3FB1] =	sst s10  }
0x32: {  	s10 =	sld [smem:$0x3FAF];
	_ =	sdelay $0x3  }
0x33: {  	p0 =	seq.s32 s10, $0x1;
	s10 =	sld [smem:$0x3FB1];
	_ =	sdelay $0x3  }
0x34: {  	[smem:$0x3FB1] =	sst s10  }
0x35: {  	s10 =	sld [smem:$0x3FB0];
	_ =	sdelay $0x3  }
0x36: {  	p1 =	seq.s32 s10, $0x1;
	s10 =	sld [smem:$0x3FB1];
	_ =	sdelay $0x3  }
0x37: {  	[smem:$0x3FB1] =	sst s10  }
0x38: {  	s10 =	sld [smem:$0x3FB2]  }
0x39: {  	_ = 	snop;
	(pc) =	sbr.ind lr, $3  }
0x3a: {  	_ = 	snop  }
0x3b: {  	_ = 	snop  }
0x3c: {  	p2 =	seq.s32 s10, $0x1;
	s10 =	sld [smem:$0x3FB1]  }
0x3d: {  	_ =	shalt  }
0x3e: {  	_ =	shalt  }
0x3f: {  	_ =	shalt  }
0x40: {  	_ =	shalt  }
0x41: {  	_ =	shalt  }
0x42: {  	_ =	shalt  }
0x43: {  	_ =	shalt  }
0x44: {  	_ =	shalt  }
0x45: {  	_ =	shalt  }
0x46: {  	_ =	shalt  }
0x47: {  	_ =	shalt  }
0x48: {  	_ =	shalt  }
0x49: {  	_ =	shalt  }
0x4a: {  	_ =	shalt  }
0x4b: {  	_ =	shalt  }
0x4c: {  	_ =	shalt  }
0x4d: {  	_ =	shalt  }
0x4e: {  	_ =	shalt  }
0x4f: {  	_ =	shalt  }
0x50: {  	_ =	shalt  }
0x51: {  	_ =	shalt  }
0x52: {  	_ =	shalt  }
0x53: {  	_ =	shalt  }
0x54: {  	_ =	shalt  }
0x55: {  	_ =	shalt  }
0x56: {  	_ =	shalt  }
0x57: {  	_ =	shalt  }
0x58: {  	_ =	shalt  }
0x59: {  	_ =	shalt  }
0x5a: {  	_ =	shalt  }
0x5b: {  	_ =	shalt  }
0x5c: {  	_ =	shalt  }
0x5d: {  	_ =	shalt  }
0x5e: {  	_ =	shalt  }
0x5f: {  	_ =	shalt  }
0x60: {  	_ =	shalt  }
0x61: {  	_ =	shalt  }
0x62: {  	_ =	shalt  }
0x63: {  	_ =	shalt  }
0x64: {  	_ =	shalt  }
0x65: {  	_ =	shalt  }
0x66: {  	_ =	shalt  }
0x67: {  	_ =	shalt  }
0x68: {  	_ =	shalt  }
0x69: {  	_ =	shalt  }
0x6a: {  	_ =	shalt  }
0x6b: {  	_ =	shalt  }
0x6c: {  	_ =	shalt  }
0x6d: {  	_ =	shalt  }
0x6e: {  	_ =	shalt  }
0x6f: {  	_ =	shalt  }
0x70: {  	_ =	shalt  }
0x71: {  	_ =	shalt  }
0x72: {  	_ =	shalt  }
0x73: {  	_ =	shalt  }
0x74: {  	_ =	shalt  }
0x75: {  	_ =	shalt  }
0x76: {  	_ =	shalt  }
0x77: {  	_ =	shalt  }
0x78: {  	_ =	shalt  }
0x79: {  	_ =	shalt  }
0x7a: {  	_ =	shalt  }
0x7b: {  	_ =	shalt  }
0x7c: {  	_ =	shalt  }
0x7d: {  	_ =	shalt  }
0x7e: {  	_ =	shalt  }
0x7f: {  	_ =	shalt  }
0x80: {  	_ =	shalt  }
0x81: {  	_ =	shalt  }
0x82: {  	_ =	shalt  }
0x83: {  	_ =	shalt  }
0x84: {  	_ =	shalt  }
0x85: {  	_ =	shalt  }
0x86: {  	_ =	shalt  }
0x87: {  	_ =	shalt  }
.Lfunc_end0:
.L_simem_size_0:
called_computation_lowered:
.L_overlay_start_0:
0x88: {  	s2 =	sld [smem:$0x3FD9]  }
0x89: {  	s3 =	sld [smem:$0x3FFE];
	_ =	sdelay $0x1  }
0x8a: {  	s1 =	srdreg.scid  }
0x8b: {  	s0 =	sand.u32 $0x1, s1  }
0x8c: {  	s17 =	sshll.u32 s0, $0xA;
	s2 =	sadd.s32 s3, s2  }
0x8d: {  	s2 =	sadd.s32 s2, s17  }
0x8e: {  	[smem:$0x3FBD] =	sst s2  }
0x8f: {  	_ = 	snop  }
0x90: {  	s2 =	sld [smem:$0x3FD0];
	(tm) =	ssettm $0x1  }
0x91: {  	s18 =	sld [smem:$0x3FFB];
	_ =	sdelay $0x3  }
0x92: {  	_ =	strace s18  }
0x93: {  	s3 =	sld [smem:$0x3FFC];
	_ =	sdelay $0x3  }
0x94: {  	_ =	strace s3  }
0x95: {  	s3 =	sld [smem:$0x3FFD];
	_ =	sdelay $0x3  }
0x96: {  	_ =	strace s3  }
0x97: {  	_ =	strace $0x8FFFFFFF  }
0x98: {  	s19 =	sld [smem:$0x3FDB];
	_ =	sdelay $0x1  }
0x99: {  	s4 =	simm.s32 $_scs_section_size  }
0x9a: {  	s5 =	simm.s32 $_size__tile_overlayer_lowered;
	s6 =	simm.s32 $_tile_overlayer_lowered  }
0x9b: {  	s22 =	simm.s32 $0x1BFF;
	s21 =	sshll.u32 s6, $0x1;
	s3 =	sadd.s32 s4, s19  }
0x9c: {  	s7 =	simm.s32 $0x0;
	s20 =	sshll.u32 s5, $0x1;
	s5 =	sadd.s32 s21, s3  }
0x9d: {  	[timem:s7], [sflag:s22] =	dma.local [hbm:s5], s20  }
0x9e: {  	_ =	swait.ge [sflag:s22], s20  }
0x9f: {  	s4 =	ssub.s32 $0x0, s20;
	[sflag:s22] =	ssyncset.done $0x0  }
0xa0: {  	[sflag:s22] =	ssyncadd.s32 s4;
	_ =	sdelay $0x1  }
0xa1: {  	s23 =	simm.s32 $0x1B8B  }
0xa2: {  	_ =	swait.ge [sflag:s23], $0x1  }
0xa3: {  	[sflag:s23] =	ssyncset.done $0x0  }
0xa4: {  	s25 =	simm.s32 $0x1B8E;
	s24 =	sld [smem:$0x3FFE];
	[sflag:s23] =	ssyncadd.s32 $0xFFFFFFFF  }
0xa5: {  	s26 =	simm.s32 $execute0_lowered;
	[smem:$0x3FD2] =	sst s25  }
0xa6: {  	s5 =	sshll.u32 s26, $0x1;
	_ =	strace $0x80000046;
	[dreg:$0x1] =	wrdreg $0xFFFFFFFF  }
0xa7: {  	s28 =	simm.s32 $_size_execute0_lowered;
	s3 =	sadd.s32 s3, s5;
	[dreg:$0x0] =	wrdreg $0x0  }
0xa8: {  	s5 =	sshll.u32 s28, $0x1;
	[dreg:$0x2] =	wrdreg s3  }
0xa9: {  	[dreg:$0x3] =	wrdreg s5  }
0xaa: {  	[dreg:$0x4] =	wrdreg $0xC0  }
0xab: {  	_ =	task [dreg:s7], $0x5FFFF  }
0xac: {  	[dreg:$0x1] =	wrdreg $0xFFFFFFFF  }
0xad: {  	[dreg:$0x0] =	wrdreg $0x60  }
0xae: {  	[dreg:$0x2] =	wrdreg s24  }
0xaf: {  	[dreg:$0x3] =	wrdreg s2  }
0xb0: {  	[dreg:$0x4] =	wrdreg $0x2C000  }
0xb1: {  	[dreg:$0x5] =	wrdreg $0x9  }
0xb2: {  	_ =	task.clear_ibuf [dreg:s7], $0x6FFFF;
	_ =	strace $0x90000046  }
0xb3: {  	s29 =	simm.s32 $0x9;
	_ =	strace $0x80000048  }
0xb4: {  	_ =	swait.ge [sflag:s29], $0x1  }
0xb5: {  	[sflag:s29] =	ssyncadd.s32 $0xFFFFFFFF  }
0xb6: {  	_ =	strace $0x90000048  }
0xb7: {  	_ =	sfence  }
0xb8: {  	s30 =	sld [smem:$0x0];
	_ =	sdelay $0x2  }
0xb9: {  	s31 =	sshll.u32 s1, $0xD;
	s1 =	sshrl.u32 s1, $0x2  }
0xba: {  	s3 =	sand.u32 $0x4000, s31;
	s1 =	sadd.s32 s1, s30  }
0xbb: {  	s0 =	sor.u32 s3, s0;
	s1 =	sshll.u32 s1, $0x11  }
0xbc: {  	s0 =	sor.u32 s1, s0  }
0xbd: {  	s0 =	sadd.s32 $0x8F2B, s0  }
0xbe: {  	[sflag:s0] =	ssyncadd.remote.s32 $0x1  }
0xbf: {  	_ =	sfence.sel $0xFFFF  }
0xc0: {  	[dreg:$0x0] =	wrdreg $0xFFFFFFFF;
	(pc) =	sbr.abs _section_cstart, $3  }
0xc1: {  	[dreg:$0x1] =	wrdreg $0xFFFFFFFF  }
0xc2: {  	_ =	task.clear_ibuf [dreg:s7], $0x2FFFF;
	_ =	strace $0x9FFFFFFF  }
0xc3: {  	(tm) =	ssettm $0x7FFFFFFF  }
tec
execute0_lowered:
.L_overlay_start_1:
0x0: {  	(tag) =	ssettag $0x1  }
0x1: {  	s6 =	rddreg [dreg:$0x0]  }
0x2: {  	s0 =	srdreg.scid;
	s2 =	rddreg [dreg:$0x1]  }
0x3: {  	s3 =	rddreg [dreg:$0x2];
	s4 =	simm.s32 $0x0;
	s13 =	simm.s32 $0x80  }
0x4: {  	s14 =	simm.s32 $0x0;
	s5 =	sand.u32 $0x1, s0;
	s0 =	stileid.u32  }
0x5: {  	[smem:$0x7FF] =	sst s4;
	s1 =	sshll.u32 s5, $0x4;
	s8 =	smul.u32 $0x2800, s0  }
0x6: {  	s9 =	smul.u32 $0x28000, s5;
	s5 =	ssub.s32 $0x2, s5;
	s1 =	sor.u32 s0, s1  }
0x7: {  	s31 =	sshll.u32 s0, $0x6;
	s11 =	sshrl.u32 s5, $0x1;
	s7 =	smul.u32 $0x500, s1  }
0x8: {  	s1 =	rddreg [dreg:$0x3];
	_ =	strace $0x80000047;
	s9 =	sadd.s32 s8, s9  }
0x9: {  	s10 =	sshrl.u32 s8, $0x3;
	s11 =	ssub.s32 s5, s11;
	s12 =	sadd.s32 s8, s3  }
0xa: {  	s9 =	sshrl.u32 s9, $0x3;
	s10 =	sadd.s32 s10, s6;
	s7 =	sadd.s32 s7, s6  }
0xb: {  	s9 =	sadd.s32 s9, s6;
	s5 =	sadd.s32 $0xBE00, s10;
	s6 =	sor.u32 $0x1C01, s31  }
0xc: {  	s10 =	sshrl.u32 s12, $0x3;
	s12 =	simm.s32 $0x2800;
	s7 =	sadd.s32 $0x1E00, s7  }
0xd: {  	s8 =	sadd.s32 $0x10E00, s9;
	s9 =	smax.u32 s11, $0x1;
	s11 =	simm.s32 $0x1  }
.LBB2_1:
0xe: {  	[spmem:s10], [sflag:s6] =	dma.local [hbm:s5], $0x500  }
0xf: {  	_ =	swait.ge [sflag:s11], $0x500  }
0x10: {  	[sflag:s11] =	ssyncset.done $0x0  }
0x11: {  	[sflag:s11] =	ssyncadd.s32 $0xFFFFFB00  }
0x12: {  	[tilespmem:s4], [sflag:$0x1] =	stream.linear.gather [hbm4b:s7+s4], $0x2800, $0x38;
	[tilespmem:$0x5400] =	vst v63  }
0x13: {  	_ =	swait.ge [sflag:s11], $0x2800  }
0x14: {  	[sflag:s11] =	ssyncset.done $0x0  }
0x15: {  	[sflag:s11] =	ssyncadd.s32 $0xFFFFD800  }
0x16: {  	[tilespmem:s12], [sflag:$0x1] =	stream.linear.gather [hbm4b:s2+s4], $0x400, $0x38;
	[tilespmem:$0x5400] =	vst v63  }
0x17: {  	_ =	swait.ge [sflag:s11], $0x400  }
0x18: {  	[sflag:s11] =	ssyncset.done $0x0  }
0x19: {  	[sflag:s11] =	ssyncadd.s32 $0xFFFFFC00  }
0x1a: {  	s15 =	simm.s32 $0x0;
	[bflag:$0x0] =	sbarrier.arrive $0xFFFF  }
0x1b: {  	[spmem:s3] =	stream.indirect.scatter.add.f32 [tilespmem:s12], [sflag:$0x1], $0x8, s15, s13, $0xb8;
	[tilespmem:$0x5400] =	vst v63  }
0x1c: {  	_ =	swait.ge [sflag:s11], $0x400  }
0x1d: {  	s15 =	simm.s32 $0x200;
	[sflag:s11] =	ssyncset.done $0x0  }
.LBB2_2:
0x1e: {  	s16 =	sshra.s32 s15, $0x2;
	[sflag:s11] =	ssyncadd.s32 $0xFFFFFC00;
	p0 =	sne.s32 s15, $0x9E00  }
0x1f: {  	[spmem:s3] =	stream.indirect.scatter.add.f32 [tilespmem:s12], [sflag:$0x1], $0x8, s16, s13, $0xb8;
	[tilespmem:$0x5400] =	vst v63  }
.Ltmp0:
0x20: {  	_ = 	snop;
	(pc) =	sbr.rel @p0 .LBB2_2-.Ltmp0, $4  }
0x21: {  	_ = 	snop  }
0x22: {  	s15 =	sadd.s32 $0x200, s15  }
0x23: {  	_ =	swait.ge [sflag:s11], $0x400  }
0x24: {  	[sflag:s11] =	ssyncset.done $0x0  }
0x25: {  	s14 =	sadd.s32 $0x1, s14  }
0x26: {  	[sflag:s11] =	ssyncadd.s32 $0xFFFFFC00;
	p0 =	sne.s32 s14, s9  }
.Ltmp1:
0x27: {  	[bflag:$0x0] =	sbarrier.arrive $0xFFFF;
	(pc) =	sbr.rel @p0 .LBB2_1-.Ltmp1, $4  }
0x28: {  	[hbm:s8], [sflag:s6] =	dma.local [spmem:s10], $0x500  }
0x29: {  	_ =	swait.ge [sflag:s11], $0x500  }
0x2a: {  	[sflag:s11] =	ssyncset.done $0x0  }
0x2b: {  	[sflag:s11] =	ssyncadd.s32 $0xFFFFFB00  }
0x2c: {  	_ =	sfence.sel $0x180000  }
0x2d: {  	[bflag:$0x0] =	sbarrier.arrive $0xFFFF  }
0x2e: {  	p0 =	sne.s32 s0, $0x0;
	_ =	strace $0x90000047  }
0x2f: {  	s0 =	sadd.s32 @!p0 $0x100000, s1;
	[bflag:$0x2] =	sbarrier.arrive $0xFFFF  }
0x30: {  	[sflag:s0] =	ssyncadd.tile.s32 @!p0 $0x1;
	_ =	shalt  }
.Lfunc_end2:
_tile_overlayer_lowered:
.L_overlay_start_2:
0x31: {  	(tag) =	ssettag $0x2  }
0x32: {  	s0 =	rddreg [dreg:$0x0];
	s2 =	stileid.u32  }
0x33: {  	s1 =	rddreg [dreg:$0x1];
	p0 =	sne.s32 s2, $0x0  }
0x34: {  	s3 =	rddreg [dreg:$0x2];
	[bflag:$0x3] =	sbarrier.arrive $0xFFFF;
	s2 =	simm.s32 @!p0 $0x1C01  }
0x35: {  	[timem:s3], [sflag:s2] =	dma.local @!p0 [hbm:s0], s1  }
0x36: {  	s0 =	simm.s32 @!p0 $0x1  }
0x37: {  	_ =	swait.ge @!p0 [sflag:s0], s1  }
0x38: {  	s1 =	ssub.s32 @!p0 $0x0, s1;
	[sflag:s0] =	ssyncset.done @!p0 $0x0  }
0x39: {  	[sflag:s0] =	ssyncadd.s32 @!p0 s1  }
0x3a: {  	[bflag:$0x3] =	sbarrier.arrive $0xFFFF  }
0x3b: {  	_ =	shalt  }

</sc_bundles>
